<compile_context>
chip_gen: v7x
topology: tpu7x:2x2x1
jax: 0.10.2.dev20260603
libtpu: 0.0.44.dev20260713+nightly
codegen_flags: <defaults>
</compile_context>

<pallas_src>
import functools

import jax
import jax.numpy as jnp
from jax import lax
from jax.experimental import pallas as pl
from jax.experimental.pallas import tpu as pltpu
from jax.experimental.pallas import tpu_sc as plsc

N = 10000
NPAD = 10240
NC, NS = 2, 16
NW = NC * NS
K = 128
ETOT = 320000 + N
STEPS = 81
EPAD = STEPS * NW * K
RPT = NPAD // NS

_mesh = plsc.VectorSubcoreMesh(
    core_axis_name="c", subcore_axis_name="s", num_cores=NC, num_subcores=NS)


NB = 3
SS = STEPS // NB


@functools.partial(jax.jit, static_argnums=(3,))
def _sc_agg(g, src2, dst2, D):
    DS = min(D, 64)
    SLABS = D // DS

    @functools.partial(
        pl.kernel,
        out_type=jax.ShapeDtypeStruct((NC, NPAD, D), jnp.float32),
        mesh=_mesh,
        scratch_types=[
            pltpu.VMEM_SHARED((NPAD, DS), jnp.float32),
            pltpu.VMEM_SHARED((NPAD, DS), jnp.float32),
            pltpu.VMEM((STEPS, K), jnp.int32),
            pltpu.VMEM((STEPS, K), jnp.int32),
        ] + [pltpu.VMEM((K, DS), jnp.float32) for _ in range(NB)]
          + [pltpu.SemaphoreType.DMA for _ in range(2 * NB)],
        compiler_params=pltpu.CompilerParams(use_tc_tiling_on_sc=False),
    )
    def agg(g_hbm, src_hbm, dst_hbm, out_hbm, g_sp, acc, sbuf, dbuf, *bufs):
        rows = bufs[:NB]
        gsem = bufs[NB:2 * NB]
        ssem = bufs[2 * NB:]
        c = lax.axis_index("c")
        s = lax.axis_index("s")
        wid = s * NC + c
        pltpu.sync_copy(src_hbm.at[pl.ds(wid * STEPS, STEPS)], sbuf)
        pltpu.sync_copy(dst_hbm.at[pl.ds(wid * STEPS, STEPS)], dbuf)

        def drain(sem, b):
            pltpu.make_async_copy(
                g_hbm.at[pl.ds(0, K), pl.ds(0, DS)] if SLABS > 1
                else g_hbm.at[pl.ds(0, K)],
                rows[b], sem[b]).wait()

        for j in range(SLABS):
            r0 = s * RPT
            if SLABS > 1:
                pltpu.sync_copy(g_hbm.at[pl.ds(r0, RPT), pl.ds(j * DS, DS)],
                                g_sp.at[pl.ds(r0, RPT)])
                for t in range(RPT // K):
                    pltpu.sync_copy(
                        g_hbm.at[pl.ds(NPAD - K, K), pl.ds(j * DS, DS)],
                        acc.at[pl.ds(r0 + t * K, K)])
            else:
                pltpu.sync_copy(g_hbm.at[pl.ds(r0, RPT)],
                                g_sp.at[pl.ds(r0, RPT)])
                for t in range(RPT // K):
                    pltpu.sync_copy(g_hbm.at[pl.ds(NPAD - K, K)],
                                    acc.at[pl.ds(r0 + t * K, K)])
            plsc.subcore_barrier()

            for b in range(NB):
                pltpu.async_copy(g_sp.at[sbuf.at[b]], rows[b], gsem[b])

            def body(ss, carry):
                t0 = ss * NB
                for b in range(NB):
                    drain(gsem, b)
                    pltpu.async_copy(rows[b], acc.at[dbuf.at[t0 + b]],
                                     ssem[b], add=True)
                for b in range(NB):
                    drain(ssem, b)
                    pltpu.async_copy(g_sp.at[sbuf.at[t0 + NB + b]], rows[b],
                                     gsem[b])
                return carry

            lax.fori_loop(0, SS - 1, body, 0)
            t0 = (SS - 1) * NB
            for b in range(NB):
                drain(gsem, b)
                pltpu.async_copy(rows[b], acc.at[dbuf.at[t0 + b]], ssem[b],
                                 add=True)
            for b in range(NB):
                drain(ssem, b)
            plsc.subcore_barrier()
            if SLABS > 1:
                pltpu.sync_copy(acc.at[pl.ds(r0, RPT)],
                                out_hbm.at[c, pl.ds(r0, RPT),
                                           pl.ds(j * DS, DS)])
            else:
                pltpu.sync_copy(acc.at[pl.ds(r0, RPT)],
                                out_hbm.at[c, pl.ds(r0, RPT)])

    return agg(g, src2, dst2)


B = 1024
G = NPAD // B


def _rspec(D):
    return pl.BlockSpec((B, D), lambda i: (i, 0))


def _pspec(D):
    return pl.BlockSpec((NC, B, D), lambda i: (0, i, 0))


def _wspec(shape):
    return pl.BlockSpec(shape, lambda i: tuple(0 for _ in shape))


def _tc_call(body, in_specs, ins, out_specs, out_shapes):
    return pl.pallas_call(
        body,
        grid=(G,),
        in_specs=in_specs,
        out_specs=out_specs,
        out_shape=[jax.ShapeDtypeStruct(s, jnp.float32) for s in out_shapes],
    )(*ins)


@jax.jit
def _tc0(degp, x, W1):
    def body(degp_ref, x_ref, w_ref, dis_ref, g_ref):
        deg = degp_ref[0, :, 0:1] + degp_ref[1, :, 0:1]
        dis = jnp.where(deg > 0, lax.rsqrt(jnp.maximum(deg, 1e-12)), 0.0)
        dis_ref[...] = dis
        g_ref[...] = dis * jnp.dot(x_ref[...], w_ref[...],
                                   preferred_element_type=jnp.float32)
    return _tc_call(
        body,
        [_pspec(16), _rspec(128), _wspec((128, 64))],
        (degp, x, W1),
        [_rspec(1), _rspec(64)],
        [(NPAD, 1), (NPAD, 64)])


@jax.jit
def _tc1(p, dis, b1):
    def body(p_ref, dis_ref, b_ref, g_ref):
        dis = dis_ref[...]
        a = dis * (p_ref[0] + p_ref[1]) + b_ref[...]
        g_ref[...] = dis * jnp.maximum(a, 0.0)
    return _tc_call(
        body,
        [_pspec(64), _rspec(1), _wspec((1, 64))],
        (p, dis, b1.reshape(1, 64)),
        [_rspec(64)],
        [(NPAD, 64)])[0]


@jax.jit
def _tc2(p, dis, W2, b2):
    def body(p_ref, dis_ref, w_ref, b_ref, g_ref):
        dis = dis_ref[...]
        a = dis * (p_ref[0] + p_ref[1])
        t = jnp.dot(a, w_ref[...], preferred_element_type=jnp.float32)
        g_ref[...] = dis * jnp.maximum(t + b_ref[...], 0.0)
    return _tc_call(
        body,
        [_pspec(64), _rspec(1), _wspec((64, 256)), _wspec((1, 256))],
        (p, dis, W2, b2.reshape(1, 256)),
        [_rspec(256)],
        [(NPAD, 256)])[0]


@jax.jit
def _tc3(p, dis, W3, b3, W4):
    def body(p_ref, dis_ref, w3_ref, b_ref, w4_ref, g_ref):
        dis = dis_ref[...]
        t = jnp.dot(dis * (p_ref[0] + p_ref[1]), w3_ref[...],
                    preferred_element_type=jnp.float32)
        o = jnp.maximum(t + b_ref[...], 0.0)
        g_ref[...] = dis * jnp.dot(o, w4_ref[...],
                                   preferred_element_type=jnp.float32)
    return _tc_call(
        body,
        [_pspec(256), _rspec(1), _wspec((256, 512)), _wspec((1, 512)),
         _wspec((512, 256))],
        (p, dis, W3, b3.reshape(1, 512), W4),
        [_rspec(256)],
        [(NPAD, 256)])[0]


@jax.jit
def _tc4(p, dis, b4, W5):
    def body(p_ref, dis_ref, b_ref, w_ref, g_ref):
        dis = dis_ref[...]
        h = jnp.maximum(dis * (p_ref[0] + p_ref[1]) + b_ref[...], 0.0)
        g_ref[...] = dis * jnp.dot(h, w_ref[...],
                                   preferred_element_type=jnp.float32)
    return _tc_call(
        body,
        [_pspec(256), _rspec(1), _wspec((1, 256)), _wspec((256, 64))],
        (p, dis, b4.reshape(1, 256), W5),
        [_rspec(64)],
        [(NPAD, 64)])[0]


@jax.jit
def _tc5(p, dis, b5, W6):
    def body(p_ref, dis_ref, b_ref, w_ref, g_ref):
        dis = dis_ref[...]
        h = jnp.maximum(dis * (p_ref[0] + p_ref[1]) + b_ref[...], 0.0)
        g_ref[...] = dis * jnp.dot(h, w_ref[...],
                                   preferred_element_type=jnp.float32)
    return _tc_call(
        body,
        [_pspec(64), _rspec(1), _wspec((1, 64)), _wspec((64, 16))],
        (p, dis, b5.reshape(1, 64), W6),
        [_rspec(16)],
        [(NPAD, 16)])[0]


@jax.jit
def _tc6(p, dis, b6):
    def body(p_ref, dis_ref, b_ref, y_ref):
        y_ref[...] = dis_ref[...] * (p_ref[0] + p_ref[1]) + b_ref[...]
    return _tc_call(
        body,
        [_pspec(16), _rspec(1), _wspec((1, 16))],
        (p, dis, b6.reshape(1, 16)),
        [_rspec(16)],
        [(NPAD, 16)])[0]


def kernel(x, edge_index, W1, b1, W2, b2, W3, b3, W4, b4, W5, b5, W6, b6):
    loop = jnp.arange(N, dtype=jnp.int32)
    pad = jnp.full((EPAD - ETOT,), N, jnp.int32)
    src = jnp.concatenate([edge_index[0], loop, pad]).reshape(-1, K)
    dst = jnp.concatenate([edge_index[1], loop, pad]).reshape(-1, K)
    xp = jnp.zeros((NPAD, 128), jnp.float32).at[:N].set(x)

    ones = jnp.zeros((NPAD, 16), jnp.float32).at[:N].set(1.0)
    degp = _sc_agg(ones, src, dst, 16)
    dis, g1 = _tc0(degp, xp, W1)
    p1 = _sc_agg(g1, src, dst, 64)
    g2 = _tc1(p1, dis, b1)
    p2 = _sc_agg(g2, src, dst, 64)
    g3 = _tc2(p2, dis, W2, b2)
    p3 = _sc_agg(g3, src, dst, 256)
    g4 = _tc3(p3, dis, W3, b3, W4)
    p4 = _sc_agg(g4, src, dst, 256)
    g5 = _tc4(p4, dis, b4, W5)
    p5 = _sc_agg(g5, src, dst, 64)
    g6 = _tc5(p5, dis, b5, W6)
    p6 = _sc_agg(g6, src, dst, 16)
    y = _tc6(p6, dis, b6)
    return y[:N]

# --- scband reference (transcript-rebuilt; emitter-appended) ---
"""Pipeline reference for scband-gcnencoder-26414048871065 (READ-ONLY COPY).

The authoritative reference and input builder live on the scoring server;
editing this copy changes nothing except your own understanding.
"""

import jax, jax.numpy as jnp
import numpy as np

N = 10000
E = 320000
DIMS = [128, 64, 256, 512, 256, 64, 16]


def setup_inputs(seed: int = 0) -> dict:
    key = jax.random.key(seed)
    ks = jax.random.split(key, 2 + 2 * 6)
    inp = {}
    inp['x'] = jax.random.normal(ks[0], (N, DIMS[0]), dtype=jnp.float32)
    inp['edge_index'] = jax.random.randint(ks[1], (2, E), 0, N, dtype=jnp.int32)
    for i in range(6):
        fan_in, fan_out = DIMS[i], DIMS[i + 1]
        scale = 1.0 / np.sqrt(fan_in)
        inp['W%d' % (i + 1)] = jax.random.uniform(ks[2 + 2 * i], (fan_in, fan_out), dtype=jnp.float32, minval=-scale, maxval=scale)
        inp['b%d' % (i + 1)] = jnp.zeros((fan_out,), dtype=jnp.float32)
    return inp


def _gcn_conv(x, src, dst, W, b, n):
    # x' = W x, then symmetric-normalized scatter-add aggregation, then + bias
    h = x @ W
    ones = jnp.ones(src.shape[0], dtype=x.dtype)
    deg = jax.ops.segment_sum(ones, dst, num_segments=n)
    dis = jnp.where(deg > 0, jax.lax.rsqrt(jnp.maximum(deg, 1e-12)), 0.0)
    norm = dis[src] * dis[dst]
    msg = h[src] * norm[:, None]
    out = jax.ops.segment_sum(msg, dst, num_segments=n)
    return out + b


def reference(x, edge_index, W1, b1, W2, b2, W3, b3, W4, b4, W5, b5, W6, b6):
    n = x.shape[0]
    loop = jnp.arange(n, dtype=edge_index.dtype)
    src = jnp.concatenate([edge_index[0], loop])
    dst = jnp.concatenate([edge_index[1], loop])
    h = jax.nn.relu(_gcn_conv(x, src, dst, W1, b1, n))
    h = jax.nn.relu(_gcn_conv(h, src, dst, W2, b2, n))
    h = jax.nn.relu(_gcn_conv(h, src, dst, W3, b3, n))
    h = jax.nn.relu(_gcn_conv(h, src, dst, W4, b4, n))
    h = jax.nn.relu(_gcn_conv(h, src, dst, W5, b5, n))
    return _gcn_conv(h, src, dst, W6, b6, n)

if __name__ == "__main__":
    import jax
    _d = setup_inputs()
    print(jax.jit(kernel)(*tuple(_d.values())))

</pallas_src>

<mosaic_0001>
#map = affine_map<(d0, d1) -> (0, 0)>
#map1 = affine_map<(d0, d1) -> (0, 0, 0)>
module attributes {stable_mosaic.version = 14 : i64} {
  func.func @agg(%arg0: i32, %arg1: i32, %arg2: memref<10240x16xf32, #tpu.memory_space<hbm>>, %arg3: memref<2592x128xi32, #tpu.memory_space<hbm>>, %arg4: memref<2592x128xi32, #tpu.memory_space<hbm>>, %arg5: memref<2x10240x16xf32, #tpu.memory_space<hbm>>, %arg6: memref<10240x16xf32, #tpu.memory_space<vmem_shared>>, %arg7: memref<10240x16xf32, #tpu.memory_space<vmem_shared>>, %arg8: memref<81x128xi32, #tpu.memory_space<vmem>>, %arg9: memref<81x128xi32, #tpu.memory_space<vmem>>, %arg10: memref<128x16xf32, #tpu.memory_space<vmem>>, %arg11: memref<128x16xf32, #tpu.memory_space<vmem>>, %arg12: memref<128x16xf32, #tpu.memory_space<vmem>>, %arg13: memref<!tpu.dma_semaphore, #tpu.memory_space<semaphore_mem>>, %arg14: memref<!tpu.dma_semaphore, #tpu.memory_space<semaphore_mem>>, %arg15: memref<!tpu.dma_semaphore, #tpu.memory_space<semaphore_mem>>, %arg16: memref<!tpu.dma_semaphore, #tpu.memory_space<semaphore_mem>>, %arg17: memref<!tpu.dma_semaphore, #tpu.memory_space<semaphore_mem>>, %arg18: memref<!tpu.dma_semaphore, #tpu.memory_space<semaphore_mem>>) attributes {dimension_semantics = [#tpu.dimension_semantics<core_parallel>, #tpu.dimension_semantics<subcore_parallel>], iteration_bounds = array<i64: 2, 16>, scalar_prefetch = 0 : i64, scratch_operands = 13 : i64, tpu.core_type = #tpu.core_type<sc_vector_subcore>, window_params = [{transform_indices = #map}, {transform_indices = #map}, {transform_indices = #map}, {transform_indices = #map1}]} {
    %mul3A = arith.constant 2 : i32
    %mul3A_0 = arith.muli %arg1, %mul3A : i32
    %add3A = arith.addi %mul3A_0, %arg0 : i32
    %mul3A_1 = arith.constant 81 : i32
    %mul3A_2 = arith.muli %add3A, %mul3A_1 : i32
    "tpu.region"() ({
      %run_scoped3A = tpu.sem_alloc : memref<!tpu.dma_semaphore, #tpu.memory_space<semaphore_mem>>
      %dma_start3A_99 = arith.constant 0 : i32
      %dma_start3A_100 = tpu.memref_slice %arg3[%mul3A_2, %dma_start3A_99] : memref<2592x128xi32, #tpu.memory_space<hbm>> -> memref<81x128xi32, #tpu.memory_space<hbm>>
      %dma_start3A_101 = arith.constant 0 : i32
      %dma_start3A_102 = tpu.memref_slice %arg3[%mul3A_2, %dma_start3A_101] : memref<2592x128xi32, #tpu.memory_space<hbm>> -> memref<81x128xi32, #tpu.memory_space<hbm>>
      tpu.enqueue_dma source(%dma_start3A_102 : memref<81x128xi32, #tpu.memory_space<hbm>>) target(%arg8 : memref<81x128xi32, #tpu.memory_space<vmem>>) target_semaphore(%run_scoped3A : memref<!tpu.dma_semaphore, #tpu.memory_space<semaphore_mem>>)
      %dma_wait3A_103 = arith.constant 0 : i32
      %dma_wait3A_104 = tpu.memref_slice %arg3[%mul3A_2, %dma_wait3A_103] : memref<2592x128xi32, #tpu.memory_space<hbm>> -> memref<81x128xi32, #tpu.memory_space<hbm>>
      %dma_wait3A_105 = arith.constant 0 : i32
      %dma_wait3A_106 = tpu.memref_slice %arg3[%mul3A_2, %dma_wait3A_105] : memref<2592x128xi32, #tpu.memory_space<hbm>> -> memref<81x128xi32, #tpu.memory_space<hbm>>
      tpu.wait_dma2 semaphore(%run_scoped3A : memref<!tpu.dma_semaphore, #tpu.memory_space<semaphore_mem>>) src(%dma_wait3A_106 : memref<81x128xi32, #tpu.memory_space<hbm>>) dst(%arg8 : memref<81x128xi32, #tpu.memory_space<vmem>>)
      tpu.yield
    }) : () -> ()
    %mul3A_3 = arith.constant 81 : i32
    %mul3A_4 = arith.muli %add3A, %mul3A_3 : i32
    "tpu.region"() ({
      %run_scoped3A = tpu.sem_alloc : memref<!tpu.dma_semaphore, #tpu.memory_space<semaphore_mem>>
      %dma_start3A_99 = arith.constant 0 : i32
      %dma_start3A_100 = tpu.memref_slice %arg4[%mul3A_4, %dma_start3A_99] : memref<2592x128xi32, #tpu.memory_space<hbm>> -> memref<81x128xi32, #tpu.memory_space<hbm>>
      %dma_start3A_101 = arith.constant 0 : i32
      %dma_start3A_102 = tpu.memref_slice %arg4[%mul3A_4, %dma_start3A_101] : memref<2592x128xi32, #tpu.memory_space<hbm>> -> memref<81x128xi32, #tpu.memory_space<hbm>>
      tpu.enqueue_dma source(%dma_start3A_102 : memref<81x128xi32, #tpu.memory_space<hbm>>) target(%arg9 : memref<81x128xi32, #tpu.memory_space<vmem>>) target_semaphore(%run_scoped3A : memref<!tpu.dma_semaphore, #tpu.memory_space<semaphore_mem>>)
      %dma_wait3A_103 = arith.constant 0 : i32
      %dma_wait3A_104 = tpu.memref_slice %arg4[%mul3A_4, %dma_wait3A_103] : memref<2592x128xi32, #tpu.memory_space<hbm>> -> memref<81x128xi32, #tpu.memory_space<hbm>>
      %dma_wait3A_105 = arith.constant 0 : i32
      %dma_wait3A_106 = tpu.memref_slice %arg4[%mul3A_4, %dma_wait3A_105] : memref<2592x128xi32, #tpu.memory_space<hbm>> -> memref<81x128xi32, #tpu.memory_space<hbm>>
      tpu.wait_dma2 semaphore(%run_scoped3A : memref<!tpu.dma_semaphore, #tpu.memory_space<semaphore_mem>>) src(%dma_wait3A_106 : memref<81x128xi32, #tpu.memory_space<hbm>>) dst(%arg9 : memref<81x128xi32, #tpu.memory_space<vmem>>)
      tpu.yield
    }) : () -> ()
    %mul3A_5 = arith.constant 640 : i32
    %mul3A_6 = arith.muli %arg1, %mul3A_5 : i32
    "tpu.region"() ({
      %run_scoped3A = tpu.sem_alloc : memref<!tpu.dma_semaphore, #tpu.memory_space<semaphore_mem>>
      %dma_start3A_99 = arith.constant 0 : i32
      %dma_start3A_100 = tpu.memref_slice %arg6[%mul3A_6, %dma_start3A_99] : memref<10240x16xf32, #tpu.memory_space<vmem_shared>> -> memref<640x16xf32, #tpu.memory_space<vmem_shared>>
      %dma_start3A_101 = arith.constant 0 : i32
      %dma_start3A_102 = tpu.memref_slice %arg2[%mul3A_6, %dma_start3A_101] : memref<10240x16xf32, #tpu.memory_space<hbm>> -> memref<640x16xf32, #tpu.memory_space<hbm>>
      tpu.enqueue_dma source(%dma_start3A_102 : memref<640x16xf32, #tpu.memory_space<hbm>>) target(%dma_start3A_100 : memref<640x16xf32, #tpu.memory_space<vmem_shared>>) target_semaphore(%run_scoped3A : memref<!tpu.dma_semaphore, #tpu.memory_space<semaphore_mem>>)
      %dma_wait3A_103 = arith.constant 0 : i32
      %dma_wait3A_104 = tpu.memref_slice %arg6[%mul3A_6, %dma_wait3A_103] : memref<10240x16xf32, #tpu.memory_space<vmem_shared>> -> memref<640x16xf32, #tpu.memory_space<vmem_shared>>
      %dma_wait3A_105 = arith.constant 0 : i32
      %dma_wait3A_106 = tpu.memref_slice %arg2[%mul3A_6, %dma_wait3A_105] : memref<10240x16xf32, #tpu.memory_space<hbm>> -> memref<640x16xf32, #tpu.memory_space<hbm>>
      tpu.wait_dma2 semaphore(%run_scoped3A : memref<!tpu.dma_semaphore, #tpu.memory_space<semaphore_mem>>) src(%dma_wait3A_106 : memref<640x16xf32, #tpu.memory_space<hbm>>) dst(%dma_wait3A_104 : memref<640x16xf32, #tpu.memory_space<vmem_shared>>)
      tpu.yield
    }) : () -> ()
    %add3A_7 = arith.constant 0 : i32
    %add3A_8 = arith.addi %mul3A_6, %add3A_7 : i32
    "tpu.region"() ({
      %run_scoped3A = tpu.sem_alloc : memref<!tpu.dma_semaphore, #tpu.memory_space<semaphore_mem>>
      %dma_start3A_99 = arith.constant 0 : i32
      %dma_start3A_100 = tpu.memref_slice %arg7[%add3A_8, %dma_start3A_99] : memref<10240x16xf32, #tpu.memory_space<vmem_shared>> -> memref<128x16xf32, #tpu.memory_space<vmem_shared>>
      %dma_start3A_101 = arith.constant 10112 : i32
      %dma_start3A_102 = arith.constant 0 : i32
      %dma_start3A_103 = tpu.memref_slice %arg2[%dma_start3A_101, %dma_start3A_102] : memref<10240x16xf32, #tpu.memory_space<hbm>> -> memref<128x16xf32, #tpu.memory_space<hbm>>
      tpu.enqueue_dma source(%dma_start3A_103 : memref<128x16xf32, #tpu.memory_space<hbm>>) target(%dma_start3A_100 : memref<128x16xf32, #tpu.memory_space<vmem_shared>>) target_semaphore(%run_scoped3A : memref<!tpu.dma_semaphore, #tpu.memory_space<semaphore_mem>>)
      %dma_wait3A_104 = arith.constant 0 : i32
      %dma_wait3A_105 = tpu.memref_slice %arg7[%add3A_8, %dma_wait3A_104] : memref<10240x16xf32, #tpu.memory_space<vmem_shared>> -> memref<128x16xf32, #tpu.memory_space<vmem_shared>>
      %dma_wait3A_106 = arith.constant 10112 : i32
      %dma_wait3A_107 = arith.constant 0 : i32
      %dma_wait3A_108 = tpu.memref_slice %arg2[%dma_wait3A_106, %dma_wait3A_107] : memref<10240x16xf32, #tpu.memory_space<hbm>> -> memref<128x16xf32, #tpu.memory_space<hbm>>
      tpu.wait_dma2 semaphore(%run_scoped3A : memref<!tpu.dma_semaphore, #tpu.memory_space<semaphore_mem>>) src(%dma_wait3A_108 : memref<128x16xf32, #tpu.memory_space<hbm>>) dst(%dma_wait3A_105 : memref<128x16xf32, #tpu.memory_space<vmem_shared>>)
      tpu.yield
    }) : () -> ()
    %add3A_9 = arith.constant 128 : i32
    %add3A_10 = arith.addi %mul3A_6, %add3A_9 : i32
    "tpu.region"() ({
      %run_scoped3A = tpu.sem_alloc : memref<!tpu.dma_semaphore, #tpu.memory_space<semaphore_mem>>
      %dma_start3A_99 = arith.constant 0 : i32
      %dma_start3A_100 = tpu.memref_slice %arg7[%add3A_10, %dma_start3A_99] : memref<10240x16xf32, #tpu.memory_space<vmem_shared>> -> memref<128x16xf32, #tpu.memory_space<vmem_shared>>
      %dma_start3A_101 = arith.constant 10112 : i32
      %dma_start3A_102 = arith.constant 0 : i32
      %dma_start3A_103 = tpu.memref_slice %arg2[%dma_start3A_101, %dma_start3A_102] : memref<10240x16xf32, #tpu.memory_space<hbm>> -> memref<128x16xf32, #tpu.memory_space<hbm>>
      tpu.enqueue_dma source(%dma_start3A_103 : memref<128x16xf32, #tpu.memory_space<hbm>>) target(%dma_start3A_100 : memref<128x16xf32, #tpu.memory_space<vmem_shared>>) target_semaphore(%run_scoped3A : memref<!tpu.dma_semaphore, #tpu.memory_space<semaphore_mem>>)
      %dma_wait3A_104 = arith.constant 0 : i32
      %dma_wait3A_105 = tpu.memref_slice %arg7[%add3A_10, %dma_wait3A_104] : memref<10240x16xf32, #tpu.memory_space<vmem_shared>> -> memref<128x16xf32, #tpu.memory_space<vmem_shared>>
      %dma_wait3A_106 = arith.constant 10112 : i32
      %dma_wait3A_107 = arith.constant 0 : i32
      %dma_wait3A_108 = tpu.memref_slice %arg2[%dma_wait3A_106, %dma_wait3A_107] : memref<10240x16xf32, #tpu.memory_space<hbm>> -> memref<128x16xf32, #tpu.memory_space<hbm>>
      tpu.wait_dma2 semaphore(%run_scoped3A : memref<!tpu.dma_semaphore, #tpu.memory_space<semaphore_mem>>) src(%dma_wait3A_108 : memref<128x16xf32, #tpu.memory_space<hbm>>) dst(%dma_wait3A_105 : memref<128x16xf32, #tpu.memory_space<vmem_shared>>)
      tpu.yield
    }) : () -> ()
    %add3A_11 = arith.constant 256 : i32
    %add3A_12 = arith.addi %mul3A_6, %add3A_11 : i32
    "tpu.region"() ({
      %run_scoped3A = tpu.sem_alloc : memref<!tpu.dma_semaphore, #tpu.memory_space<semaphore_mem>>
      %dma_start3A_99 = arith.constant 0 : i32
      %dma_start3A_100 = tpu.memref_slice %arg7[%add3A_12, %dma_start3A_99] : memref<10240x16xf32, #tpu.memory_space<vmem_shared>> -> memref<128x16xf32, #tpu.memory_space<vmem_shared>>
      %dma_start3A_101 = arith.constant 10112 : i32
      %dma_start3A_102 = arith.constant 0 : i32
      %dma_start3A_103 = tpu.memref_slice %arg2[%dma_start3A_101, %dma_start3A_102] : memref<10240x16xf32, #tpu.memory_space<hbm>> -> memref<128x16xf32, #tpu.memory_space<hbm>>
      tpu.enqueue_dma source(%dma_start3A_103 : memref<128x16xf32, #tpu.memory_space<hbm>>) target(%dma_start3A_100 : memref<128x16xf32, #tpu.memory_space<vmem_shared>>) target_semaphore(%run_scoped3A : memref<!tpu.dma_semaphore, #tpu.memory_space<semaphore_mem>>)
      %dma_wait3A_104 = arith.constant 0 : i32
      %dma_wait3A_105 = tpu.memref_slice %arg7[%add3A_12, %dma_wait3A_104] : memref<10240x16xf32, #tpu.memory_space<vmem_shared>> -> memref<128x16xf32, #tpu.memory_space<vmem_shared>>
      %dma_wait3A_106 = arith.constant 10112 : i32
      %dma_wait3A_107 = arith.constant 0 : i32
      %dma_wait3A_108 = tpu.memref_slice %arg2[%dma_wait3A_106, %dma_wait3A_107] : memref<10240x16xf32, #tpu.memory_space<hbm>> -> memref<128x16xf32, #tpu.memory_space<hbm>>
      tpu.wait_dma2 semaphore(%run_scoped3A : memref<!tpu.dma_semaphore, #tpu.memory_space<semaphore_mem>>) src(%dma_wait3A_108 : memref<128x16xf32, #tpu.memory_space<hbm>>) dst(%dma_wait3A_105 : memref<128x16xf32, #tpu.memory_space<vmem_shared>>)
      tpu.yield
    }) : () -> ()
    %add3A_13 = arith.constant 384 : i32
    %add3A_14 = arith.addi %mul3A_6, %add3A_13 : i32
    "tpu.region"() ({
      %run_scoped3A = tpu.sem_alloc : memref<!tpu.dma_semaphore, #tpu.memory_space<semaphore_mem>>
      %dma_start3A_99 = arith.constant 0 : i32
      %dma_start3A_100 = tpu.memref_slice %arg7[%add3A_14, %dma_start3A_99] : memref<10240x16xf32, #tpu.memory_space<vmem_shared>> -> memref<128x16xf32, #tpu.memory_space<vmem_shared>>
      %dma_start3A_101 = arith.constant 10112 : i32
      %dma_start3A_102 = arith.constant 0 : i32
      %dma_start3A_103 = tpu.memref_slice %arg2[%dma_start3A_101, %dma_start3A_102] : memref<10240x16xf32, #tpu.memory_space<hbm>> -> memref<128x16xf32, #tpu.memory_space<hbm>>
      tpu.enqueue_dma source(%dma_start3A_103 : memref<128x16xf32, #tpu.memory_space<hbm>>) target(%dma_start3A_100 : memref<128x16xf32, #tpu.memory_space<vmem_shared>>) target_semaphore(%run_scoped3A : memref<!tpu.dma_semaphore, #tpu.memory_space<semaphore_mem>>)
      %dma_wait3A_104 = arith.constant 0 : i32
      %dma_wait3A_105 = tpu.memref_slice %arg7[%add3A_14, %dma_wait3A_104] : memref<10240x16xf32, #tpu.memory_space<vmem_shared>> -> memref<128x16xf32, #tpu.memory_space<vmem_shared>>
      %dma_wait3A_106 = arith.constant 10112 : i32
      %dma_wait3A_107 = arith.constant 0 : i32
      %dma_wait3A_108 = tpu.memref_slice %arg2[%dma_wait3A_106, %dma_wait3A_107] : memref<10240x16xf32, #tpu.memory_space<hbm>> -> memref<128x16xf32, #tpu.memory_space<hbm>>
      tpu.wait_dma2 semaphore(%run_scoped3A : memref<!tpu.dma_semaphore, #tpu.memory_space<semaphore_mem>>) src(%dma_wait3A_108 : memref<128x16xf32, #tpu.memory_space<hbm>>) dst(%dma_wait3A_105 : memref<128x16xf32, #tpu.memory_space<vmem_shared>>)
      tpu.yield
    }) : () -> ()
    %add3A_15 = arith.constant 512 : i32
    %add3A_16 = arith.addi %mul3A_6, %add3A_15 : i32
    "tpu.region"() ({
      %run_scoped3A = tpu.sem_alloc : memref<!tpu.dma_semaphore, #tpu.memory_space<semaphore_mem>>
      %dma_start3A_99 = arith.constant 0 : i32
      %dma_start3A_100 = tpu.memref_slice %arg7[%add3A_16, %dma_start3A_99] : memref<10240x16xf32, #tpu.memory_space<vmem_shared>> -> memref<128x16xf32, #tpu.memory_space<vmem_shared>>
      %dma_start3A_101 = arith.constant 10112 : i32
      %dma_start3A_102 = arith.constant 0 : i32
      %dma_start3A_103 = tpu.memref_slice %arg2[%dma_start3A_101, %dma_start3A_102] : memref<10240x16xf32, #tpu.memory_space<hbm>> -> memref<128x16xf32, #tpu.memory_space<hbm>>
      tpu.enqueue_dma source(%dma_start3A_103 : memref<128x16xf32, #tpu.memory_space<hbm>>) target(%dma_start3A_100 : memref<128x16xf32, #tpu.memory_space<vmem_shared>>) target_semaphore(%run_scoped3A : memref<!tpu.dma_semaphore, #tpu.memory_space<semaphore_mem>>)
      %dma_wait3A_104 = arith.constant 0 : i32
      %dma_wait3A_105 = tpu.memref_slice %arg7[%add3A_16, %dma_wait3A_104] : memref<10240x16xf32, #tpu.memory_space<vmem_shared>> -> memref<128x16xf32, #tpu.memory_space<vmem_shared>>
      %dma_wait3A_106 = arith.constant 10112 : i32
      %dma_wait3A_107 = arith.constant 0 : i32
      %dma_wait3A_108 = tpu.memref_slice %arg2[%dma_wait3A_106, %dma_wait3A_107] : memref<10240x16xf32, #tpu.memory_space<hbm>> -> memref<128x16xf32, #tpu.memory_space<hbm>>
      tpu.wait_dma2 semaphore(%run_scoped3A : memref<!tpu.dma_semaphore, #tpu.memory_space<semaphore_mem>>) src(%dma_wait3A_108 : memref<128x16xf32, #tpu.memory_space<hbm>>) dst(%dma_wait3A_105 : memref<128x16xf32, #tpu.memory_space<vmem_shared>>)
      tpu.yield
    }) : () -> ()
    %barrier3A = arith.constant 0 : index
    tpu.barrier barrier_id(%barrier3A)
    %dma_start3A = arith.constant 0 : i32
    %dma_start3A_17 = arith.constant 0 : i32
    %dma_start3A_18 = tpu.memref_slice %arg8[%dma_start3A, %dma_start3A_17] : memref<81x128xi32, #tpu.memory_space<vmem>> -> memref<1x128xi32, #tpu.memory_space<vmem>>
    %dma_start3A_19 = tpu.memref_squeeze %dma_start3A_18 : memref<1x128xi32, #tpu.memory_space<vmem>> -> memref<128xi32, #tpu.memory_space<vmem>>
    %dma_start3A_20 = arith.constant 0 : i32
    %dma_start3A_21 = arith.constant 0 : i32
    %dma_start3A_22 = tpu.memref_slice %arg6[%dma_start3A_20, %dma_start3A_21] : memref<10240x16xf32, #tpu.memory_space<vmem_shared>> -> memref<10240x16xf32, #tpu.memory_space<vmem_shared>>
    tpu.enqueue_indirect_dma source(%dma_start3A_22 : memref<10240x16xf32, #tpu.memory_space<vmem_shared>>) target(%arg10 : memref<128x16xf32, #tpu.memory_space<vmem>>) offsets(%dma_start3A_19 : memref<128xi32, #tpu.memory_space<vmem>>) semaphore(%arg13 : memref<!tpu.dma_semaphore, #tpu.memory_space<semaphore_mem>>)
    %dma_start3A_23 = arith.constant 1 : i32
    %dma_start3A_24 = arith.constant 0 : i32
    %dma_start3A_25 = tpu.memref_slice %arg8[%dma_start3A_23, %dma_start3A_24] : memref<81x128xi32, #tpu.memory_space<vmem>> -> memref<1x128xi32, #tpu.memory_space<vmem>>
    %dma_start3A_26 = tpu.memref_squeeze %dma_start3A_25 : memref<1x128xi32, #tpu.memory_space<vmem>> -> memref<128xi32, #tpu.memory_space<vmem>>
    %dma_start3A_27 = arith.constant 0 : i32
    %dma_start3A_28 = arith.constant 0 : i32
    %dma_start3A_29 = tpu.memref_slice %arg6[%dma_start3A_27, %dma_start3A_28] : memref<10240x16xf32, #tpu.memory_space<vmem_shared>> -> memref<10240x16xf32, #tpu.memory_space<vmem_shared>>
    tpu.enqueue_indirect_dma source(%dma_start3A_29 : memref<10240x16xf32, #tpu.memory_space<vmem_shared>>) target(%arg11 : memref<128x16xf32, #tpu.memory_space<vmem>>) offsets(%dma_start3A_26 : memref<128xi32, #tpu.memory_space<vmem>>) semaphore(%arg14 : memref<!tpu.dma_semaphore, #tpu.memory_space<semaphore_mem>>)
    %dma_start3A_30 = arith.constant 2 : i32
    %dma_start3A_31 = arith.constant 0 : i32
    %dma_start3A_32 = tpu.memref_slice %arg8[%dma_start3A_30, %dma_start3A_31] : memref<81x128xi32, #tpu.memory_space<vmem>> -> memref<1x128xi32, #tpu.memory_space<vmem>>
    %dma_start3A_33 = tpu.memref_squeeze %dma_start3A_32 : memref<1x128xi32, #tpu.memory_space<vmem>> -> memref<128xi32, #tpu.memory_space<vmem>>
    %dma_start3A_34 = arith.constant 0 : i32
    %dma_start3A_35 = arith.constant 0 : i32
    %dma_start3A_36 = tpu.memref_slice %arg6[%dma_start3A_34, %dma_start3A_35] : memref<10240x16xf32, #tpu.memory_space<vmem_shared>> -> memref<10240x16xf32, #tpu.memory_space<vmem_shared>>
    tpu.enqueue_indirect_dma source(%dma_start3A_36 : memref<10240x16xf32, #tpu.memory_space<vmem_shared>>) target(%arg12 : memref<128x16xf32, #tpu.memory_space<vmem>>) offsets(%dma_start3A_33 : memref<128xi32, #tpu.memory_space<vmem>>) semaphore(%arg15 : memref<!tpu.dma_semaphore, #tpu.memory_space<semaphore_mem>>)
    %scan3A = arith.constant 0 : i32
    %scan3A_37 = arith.constant 0 : i32
    %scan3A_38 = arith.constant 26 : i32
    %scan3A_39 = arith.addi %scan3A_37, %scan3A_38 : i32
    %scan3A_40 = arith.constant 1 : i32
    scf.for %scan3A_99 = %scan3A_37 to %scan3A_39 step %scan3A_40  : i32 {
      %mul3A_100 = arith.constant 3 : i32
      %mul3A_101 = arith.muli %scan3A_99, %mul3A_100 : i32
      %dma_wait3A_102 = arith.constant 0 : i32
      %dma_wait3A_103 = arith.constant 0 : i32
      %dma_wait3A_104 = tpu.memref_slice %arg2[%dma_wait3A_102, %dma_wait3A_103] : memref<10240x16xf32, #tpu.memory_space<hbm>> -> memref<128x16xf32, #tpu.memory_space<hbm>>
      %dma_wait3A_105 = arith.constant 0 : i32
      %dma_wait3A_106 = arith.constant 0 : i32
      %dma_wait3A_107 = tpu.memref_slice %arg2[%dma_wait3A_105, %dma_wait3A_106] : memref<10240x16xf32, #tpu.memory_space<hbm>> -> memref<128x16xf32, #tpu.memory_space<hbm>>
      tpu.wait_dma2 semaphore(%arg13 : memref<!tpu.dma_semaphore, #tpu.memory_space<semaphore_mem>>) src(%dma_wait3A_107 : memref<128x16xf32, #tpu.memory_space<hbm>>) dst(%arg10 : memref<128x16xf32, #tpu.memory_space<vmem>>)
      %add3A_108 = arith.constant 0 : i32
      %add3A_109 = arith.addi %mul3A_101, %add3A_108 : i32
      %dma_start3A_110 = arith.constant 0 : i32
      %dma_start3A_111 = tpu.memref_slice %arg9[%add3A_109, %dma_start3A_110] : memref<81x128xi32, #tpu.memory_space<vmem>> -> memref<1x128xi32, #tpu.memory_space<vmem>>
      %dma_start3A_112 = tpu.memref_squeeze %dma_start3A_111 : memref<1x128xi32, #tpu.memory_space<vmem>> -> memref<128xi32, #tpu.memory_space<vmem>>
      %dma_start3A_113 = arith.constant 0 : i32
      %dma_start3A_114 = arith.constant 0 : i32
      %dma_start3A_115 = tpu.memref_slice %arg7[%dma_start3A_113, %dma_start3A_114] : memref<10240x16xf32, #tpu.memory_space<vmem_shared>> -> memref<10240x16xf32, #tpu.memory_space<vmem_shared>>
      tpu.enqueue_indirect_dma source(%arg10 : memref<128x16xf32, #tpu.memory_space<vmem>>) target(%dma_start3A_115 : memref<10240x16xf32, #tpu.memory_space<vmem_shared>>) offsets(%dma_start3A_112 : memref<128xi32, #tpu.memory_space<vmem>>) semaphore(%arg16 : memref<!tpu.dma_semaphore, #tpu.memory_space<semaphore_mem>>) {add = true}
      %dma_wait3A_116 = arith.constant 0 : i32
      %dma_wait3A_117 = arith.constant 0 : i32
      %dma_wait3A_118 = tpu.memref_slice %arg2[%dma_wait3A_116, %dma_wait3A_117] : memref<10240x16xf32, #tpu.memory_space<hbm>> -> memref<128x16xf32, #tpu.memory_space<hbm>>
      %dma_wait3A_119 = arith.constant 0 : i32
      %dma_wait3A_120 = arith.constant 0 : i32
      %dma_wait3A_121 = tpu.memref_slice %arg2[%dma_wait3A_119, %dma_wait3A_120] : memref<10240x16xf32, #tpu.memory_space<hbm>> -> memref<128x16xf32, #tpu.memory_space<hbm>>
      tpu.wait_dma2 semaphore(%arg14 : memref<!tpu.dma_semaphore, #tpu.memory_space<semaphore_mem>>) src(%dma_wait3A_121 : memref<128x16xf32, #tpu.memory_space<hbm>>) dst(%arg11 : memref<128x16xf32, #tpu.memory_space<vmem>>)
      %add3A_122 = arith.constant 1 : i32
      %add3A_123 = arith.addi %mul3A_101, %add3A_122 : i32
      %dma_start3A_124 = arith.constant 0 : i32
      %dma_start3A_125 = tpu.memref_slice %arg9[%add3A_123, %dma_start3A_124] : memref<81x128xi32, #tpu.memory_space<vmem>> -> memref<1x128xi32, #tpu.memory_space<vmem>>
      %dma_start3A_126 = tpu.memref_squeeze %dma_start3A_125 : memref<1x128xi32, #tpu.memory_space<vmem>> -> memref<128xi32, #tpu.memory_space<vmem>>
      %dma_start3A_127 = arith.constant 0 : i32
      %dma_start3A_128 = arith.constant 0 : i32
      %dma_start3A_129 = tpu.memref_slice %arg7[%dma_start3A_127, %dma_start3A_128] : memref<10240x16xf32, #tpu.memory_space<vmem_shared>> -> memref<10240x16xf32, #tpu.memory_space<vmem_shared>>
      tpu.enqueue_indirect_dma source(%arg11 : memref<128x16xf32, #tpu.memory_space<vmem>>) target(%dma_start3A_129 : memref<10240x16xf32, #tpu.memory_space<vmem_shared>>) offsets(%dma_start3A_126 : memref<128xi32, #tpu.memory_space<vmem>>) semaphore(%arg17 : memref<!tpu.dma_semaphore, #tpu.memory_space<semaphore_mem>>) {add = true}
      %dma_wait3A_130 = arith.constant 0 : i32
      %dma_wait3A_131 = arith.constant 0 : i32
      %dma_wait3A_132 = tpu.memref_slice %arg2[%dma_wait3A_130, %dma_wait3A_131] : memref<10240x16xf32, #tpu.memory_space<hbm>> -> memref<128x16xf32, #tpu.memory_space<hbm>>
      %dma_wait3A_133 = arith.constant 0 : i32
      %dma_wait3A_134 = arith.constant 0 : i32
      %dma_wait3A_135 = tpu.memref_slice %arg2[%dma_wait3A_133, %dma_wait3A_134] : memref<10240x16xf32, #tpu.memory_space<hbm>> -> memref<128x16xf32, #tpu.memory_space<hbm>>
      tpu.wait_dma2 semaphore(%arg15 : memref<!tpu.dma_semaphore, #tpu.memory_space<semaphore_mem>>) src(%dma_wait3A_135 : memref<128x16xf32, #tpu.memory_space<hbm>>) dst(%arg12 : memref<128x16xf32, #tpu.memory_space<vmem>>)
      %add3A_136 = arith.constant 2 : i32
      %add3A_137 = arith.addi %mul3A_101, %add3A_136 : i32
      %dma_start3A_138 = arith.constant 0 : i32
      %dma_start3A_139 = tpu.memref_slice %arg9[%add3A_137, %dma_start3A_138] : memref<81x128xi32, #tpu.memory_space<vmem>> -> memref<1x128xi32, #tpu.memory_space<vmem>>
      %dma_start3A_140 = tpu.memref_squeeze %dma_start3A_139 : memref<1x128xi32, #tpu.memory_space<vmem>> -> memref<128xi32, #tpu.memory_space<vmem>>
      %dma_start3A_141 = arith.constant 0 : i32
      %dma_start3A_142 = arith.constant 0 : i32
      %dma_start3A_143 = tpu.memref_slice %arg7[%dma_start3A_141, %dma_start3A_142] : memref<10240x16xf32, #tpu.memory_space<vmem_shared>> -> memref<10240x16xf32, #tpu.memory_space<vmem_shared>>
      tpu.enqueue_indirect_dma source(%arg12 : memref<128x16xf32, #tpu.memory_space<vmem>>) target(%dma_start3A_143 : memref<10240x16xf32, #tpu.memory_space<vmem_shared>>) offsets(%dma_start3A_140 : memref<128xi32, #tpu.memory_space<vmem>>) semaphore(%arg18 : memref<!tpu.dma_semaphore, #tpu.memory_space<semaphore_mem>>) {add = true}
      %dma_wait3A_144 = arith.constant 0 : i32
      %dma_wait3A_145 = arith.constant 0 : i32
      %dma_wait3A_146 = tpu.memref_slice %arg2[%dma_wait3A_144, %dma_wait3A_145] : memref<10240x16xf32, #tpu.memory_space<hbm>> -> memref<128x16xf32, #tpu.memory_space<hbm>>
      %dma_wait3A_147 = arith.constant 0 : i32
      %dma_wait3A_148 = arith.constant 0 : i32
      %dma_wait3A_149 = tpu.memref_slice %arg2[%dma_wait3A_147, %dma_wait3A_148] : memref<10240x16xf32, #tpu.memory_space<hbm>> -> memref<128x16xf32, #tpu.memory_space<hbm>>
      tpu.wait_dma2 semaphore(%arg16 : memref<!tpu.dma_semaphore, #tpu.memory_space<semaphore_mem>>) src(%dma_wait3A_149 : memref<128x16xf32, #tpu.memory_space<hbm>>) dst(%arg10 : memref<128x16xf32, #tpu.memory_space<vmem>>)
      %add3A_150 = arith.constant 3 : i32
      %add3A_151 = arith.addi %mul3A_101, %add3A_150 : i32
      %add3A_152 = arith.constant 0 : i32
      %add3A_153 = arith.addi %add3A_151, %add3A_152 : i32
      %dma_start3A_154 = arith.constant 0 : i32
      %dma_start3A_155 = tpu.memref_slice %arg8[%add3A_153, %dma_start3A_154] : memref<81x128xi32, #tpu.memory_space<vmem>> -> memref<1x128xi32, #tpu.memory_space<vmem>>
      %dma_start3A_156 = tpu.memref_squeeze %dma_start3A_155 : memref<1x128xi32, #tpu.memory_space<vmem>> -> memref<128xi32, #tpu.memory_space<vmem>>
      %dma_start3A_157 = arith.constant 0 : i32
      %dma_start3A_158 = arith.constant 0 : i32
      %dma_start3A_159 = tpu.memref_slice %arg6[%dma_start3A_157, %dma_start3A_158] : memref<10240x16xf32, #tpu.memory_space<vmem_shared>> -> memref<10240x16xf32, #tpu.memory_space<vmem_shared>>
      tpu.enqueue_indirect_dma source(%dma_start3A_159 : memref<10240x16xf32, #tpu.memory_space<vmem_shared>>) target(%arg10 : memref<128x16xf32, #tpu.memory_space<vmem>>) offsets(%dma_start3A_156 : memref<128xi32, #tpu.memory_space<vmem>>) semaphore(%arg13 : memref<!tpu.dma_semaphore, #tpu.memory_space<semaphore_mem>>)
      %dma_wait3A_160 = arith.constant 0 : i32
      %dma_wait3A_161 = arith.constant 0 : i32
      %dma_wait3A_162 = tpu.memref_slice %arg2[%dma_wait3A_160, %dma_wait3A_161] : memref<10240x16xf32, #tpu.memory_space<hbm>> -> memref<128x16xf32, #tpu.memory_space<hbm>>
      %dma_wait3A_163 = arith.constant 0 : i32
      %dma_wait3A_164 = arith.constant 0 : i32
      %dma_wait3A_165 = tpu.memref_slice %arg2[%dma_wait3A_163, %dma_wait3A_164] : memref<10240x16xf32, #tpu.memory_space<hbm>> -> memref<128x16xf32, #tpu.memory_space<hbm>>
      tpu.wait_dma2 semaphore(%arg17 : memref<!tpu.dma_semaphore, #tpu.memory_space<semaphore_mem>>) src(%dma_wait3A_165 : memref<128x16xf32, #tpu.memory_space<hbm>>) dst(%arg11 : memref<128x16xf32, #tpu.memory_space<vmem>>)
      %add3A_166 = arith.constant 3 : i32
      %add3A_167 = arith.addi %mul3A_101, %add3A_166 : i32
      %add3A_168 = arith.constant 1 : i32
      %add3A_169 = arith.addi %add3A_167, %add3A_168 : i32
      %dma_start3A_170 = arith.constant 0 : i32
      %dma_start3A_171 = tpu.memref_slice %arg8[%add3A_169, %dma_start3A_170] : memref<81x128xi32, #tpu.memory_space<vmem>> -> memref<1x128xi32, #tpu.memory_space<vmem>>
      %dma_start3A_172 = tpu.memref_squeeze %dma_start3A_171 : memref<1x128xi32, #tpu.memory_space<vmem>> -> memref<128xi32, #tpu.memory_space<vmem>>
      %dma_start3A_173 = arith.constant 0 : i32
      %dma_start3A_174 = arith.constant 0 : i32
      %dma_start3A_175 = tpu.memref_slice %arg6[%dma_start3A_173, %dma_start3A_174] : memref<10240x16xf32, #tpu.memory_space<vmem_shared>> -> memref<10240x16xf32, #tpu.memory_space<vmem_shared>>
      tpu.enqueue_indirect_dma source(%dma_start3A_175 : memref<10240x16xf32, #tpu.memory_space<vmem_shared>>) target(%arg11 : memref<128x16xf32, #tpu.memory_space<vmem>>) offsets(%dma_start3A_172 : memref<128xi32, #tpu.memory_space<vmem>>) semaphore(%arg14 : memref<!tpu.dma_semaphore, #tpu.memory_space<semaphore_mem>>)
      %dma_wait3A_176 = arith.constant 0 : i32
      %dma_wait3A_177 = arith.constant 0 : i32
      %dma_wait3A_178 = tpu.memref_slice %arg2[%dma_wait3A_176, %dma_wait3A_177] : memref<10240x16xf32, #tpu.memory_space<hbm>> -> memref<128x16xf32, #tpu.memory_space<hbm>>
      %dma_wait3A_179 = arith.constant 0 : i32
      %dma_wait3A_180 = arith.constant 0 : i32
      %dma_wait3A_181 = tpu.memref_slice %arg2[%dma_wait3A_179, %dma_wait3A_180] : memref<10240x16xf32, #tpu.memory_space<hbm>> -> memref<128x16xf32, #tpu.memory_space<hbm>>
      tpu.wait_dma2 semaphore(%arg18 : memref<!tpu.dma_semaphore, #tpu.memory_space<semaphore_mem>>) src(%dma_wait3A_181 : memref<128x16xf32, #tpu.memory_space<hbm>>) dst(%arg12 : memref<128x16xf32, #tpu.memory_space<vmem>>)
      %add3A_182 = arith.constant 3 : i32
      %add3A_183 = arith.addi %mul3A_101, %add3A_182 : i32
      %add3A_184 = arith.constant 2 : i32
      %add3A_185 = arith.addi %add3A_183, %add3A_184 : i32
      %dma_start3A_186 = arith.constant 0 : i32
      %dma_start3A_187 = tpu.memref_slice %arg8[%add3A_185, %dma_start3A_186] : memref<81x128xi32, #tpu.memory_space<vmem>> -> memref<1x128xi32, #tpu.memory_space<vmem>>
      %dma_start3A_188 = tpu.memref_squeeze %dma_start3A_187 : memref<1x128xi32, #tpu.memory_space<vmem>> -> memref<128xi32, #tpu.memory_space<vmem>>
      %dma_start3A_189 = arith.constant 0 : i32
      %dma_start3A_190 = arith.constant 0 : i32
      %dma_start3A_191 = tpu.memref_slice %arg6[%dma_start3A_189, %dma_start3A_190] : memref<10240x16xf32, #tpu.memory_space<vmem_shared>> -> memref<10240x16xf32, #tpu.memory_space<vmem_shared>>
      tpu.enqueue_indirect_dma source(%dma_start3A_191 : memref<10240x16xf32, #tpu.memory_space<vmem_shared>>) target(%arg12 : memref<128x16xf32, #tpu.memory_space<vmem>>) offsets(%dma_start3A_188 : memref<128xi32, #tpu.memory_space<vmem>>) semaphore(%arg15 : memref<!tpu.dma_semaphore, #tpu.memory_space<semaphore_mem>>)
    }
    %scan3A_41 = arith.constant 26 : i32
    %dma_wait3A = arith.constant 0 : i32
    %dma_wait3A_42 = arith.constant 0 : i32
    %dma_wait3A_43 = tpu.memref_slice %arg2[%dma_wait3A, %dma_wait3A_42] : memref<10240x16xf32, #tpu.memory_space<hbm>> -> memref<128x16xf32, #tpu.memory_space<hbm>>
    %dma_wait3A_44 = arith.constant 0 : i32
    %dma_wait3A_45 = arith.constant 0 : i32
    %dma_wait3A_46 = tpu.memref_slice %arg2[%dma_wait3A_44, %dma_wait3A_45] : memref<10240x16xf32, #tpu.memory_space<hbm>> -> memref<128x16xf32, #tpu.memory_space<hbm>>
    tpu.wait_dma2 semaphore(%arg13 : memref<!tpu.dma_semaphore, #tpu.memory_space<semaphore_mem>>) src(%dma_wait3A_46 : memref<128x16xf32, #tpu.memory_space<hbm>>) dst(%arg10 : memref<128x16xf32, #tpu.memory_space<vmem>>)
    %dma_start3A_47 = arith.constant 78 : i32
    %dma_start3A_48 = arith.constant 0 : i32
    %dma_start3A_49 = tpu.memref_slice %arg9[%dma_start3A_47, %dma_start3A_48] : memref<81x128xi32, #tpu.memory_space<vmem>> -> memref<1x128xi32, #tpu.memory_space<vmem>>
    %dma_start3A_50 = tpu.memref_squeeze %dma_start3A_49 : memref<1x128xi32, #tpu.memory_space<vmem>> -> memref<128xi32, #tpu.memory_space<vmem>>
    %dma_start3A_51 = arith.constant 0 : i32
    %dma_start3A_52 = arith.constant 0 : i32
    %dma_start3A_53 = tpu.memref_slice %arg7[%dma_start3A_51, %dma_start3A_52] : memref<10240x16xf32, #tpu.memory_space<vmem_shared>> -> memref<10240x16xf32, #tpu.memory_space<vmem_shared>>
    tpu.enqueue_indirect_dma source(%arg10 : memref<128x16xf32, #tpu.memory_space<vmem>>) target(%dma_start3A_53 : memref<10240x16xf32, #tpu.memory_space<vmem_shared>>) offsets(%dma_start3A_50 : memref<128xi32, #tpu.memory_space<vmem>>) semaphore(%arg16 : memref<!tpu.dma_semaphore, #tpu.memory_space<semaphore_mem>>) {add = true}
    %dma_wait3A_54 = arith.constant 0 : i32
    %dma_wait3A_55 = arith.constant 0 : i32
    %dma_wait3A_56 = tpu.memref_slice %arg2[%dma_wait3A_54, %dma_wait3A_55] : memref<10240x16xf32, #tpu.memory_space<hbm>> -> memref<128x16xf32, #tpu.memory_space<hbm>>
    %dma_wait3A_57 = arith.constant 0 : i32
    %dma_wait3A_58 = arith.constant 0 : i32
    %dma_wait3A_59 = tpu.memref_slice %arg2[%dma_wait3A_57, %dma_wait3A_58] : memref<10240x16xf32, #tpu.memory_space<hbm>> -> memref<128x16xf32, #tpu.memory_space<hbm>>
    tpu.wait_dma2 semaphore(%arg14 : memref<!tpu.dma_semaphore, #tpu.memory_space<semaphore_mem>>) src(%dma_wait3A_59 : memref<128x16xf32, #tpu.memory_space<hbm>>) dst(%arg11 : memref<128x16xf32, #tpu.memory_space<vmem>>)
    %dma_start3A_60 = arith.constant 79 : i32
    %dma_start3A_61 = arith.constant 0 : i32
    %dma_start3A_62 = tpu.memref_slice %arg9[%dma_start3A_60, %dma_start3A_61] : memref<81x128xi32, #tpu.memory_space<vmem>> -> memref<1x128xi32, #tpu.memory_space<vmem>>
    %dma_start3A_63 = tpu.memref_squeeze %dma_start3A_62 : memref<1x128xi32, #tpu.memory_space<vmem>> -> memref<128xi32, #tpu.memory_space<vmem>>
    %dma_start3A_64 = arith.constant 0 : i32
    %dma_start3A_65 = arith.constant 0 : i32
    %dma_start3A_66 = tpu.memref_slice %arg7[%dma_start3A_64, %dma_start3A_65] : memref<10240x16xf32, #tpu.memory_space<vmem_shared>> -> memref<10240x16xf32, #tpu.memory_space<vmem_shared>>
    tpu.enqueue_indirect_dma source(%arg11 : memref<128x16xf32, #tpu.memory_space<vmem>>) target(%dma_start3A_66 : memref<10240x16xf32, #tpu.memory_space<vmem_shared>>) offsets(%dma_start3A_63 : memref<128xi32, #tpu.memory_space<vmem>>) semaphore(%arg17 : memref<!tpu.dma_semaphore, #tpu.memory_space<semaphore_mem>>) {add = true}
    %dma_wait3A_67 = arith.constant 0 : i32
    %dma_wait3A_68 = arith.constant 0 : i32
    %dma_wait3A_69 = tpu.memref_slice %arg2[%dma_wait3A_67, %dma_wait3A_68] : memref<10240x16xf32, #tpu.memory_space<hbm>> -> memref<128x16xf32, #tpu.memory_space<hbm>>
    %dma_wait3A_70 = arith.constant 0 : i32
    %dma_wait3A_71 = arith.constant 0 : i32
    %dma_wait3A_72 = tpu.memref_slice %arg2[%dma_wait3A_70, %dma_wait3A_71] : memref<10240x16xf32, #tpu.memory_space<hbm>> -> memref<128x16xf32, #tpu.memory_space<hbm>>
    tpu.wait_dma2 semaphore(%arg15 : memref<!tpu.dma_semaphore, #tpu.memory_space<semaphore_mem>>) src(%dma_wait3A_72 : memref<128x16xf32, #tpu.memory_space<hbm>>) dst(%arg12 : memref<128x16xf32, #tpu.memory_space<vmem>>)
    %dma_start3A_73 = arith.constant 80 : i32
    %dma_start3A_74 = arith.constant 0 : i32
    %dma_start3A_75 = tpu.memref_slice %arg9[%dma_start3A_73, %dma_start3A_74] : memref<81x128xi32, #tpu.memory_space<vmem>> -> memref<1x128xi32, #tpu.memory_space<vmem>>
    %dma_start3A_76 = tpu.memref_squeeze %dma_start3A_75 : memref<1x128xi32, #tpu.memory_space<vmem>> -> memref<128xi32, #tpu.memory_space<vmem>>
    %dma_start3A_77 = arith.constant 0 : i32
    %dma_start3A_78 = arith.constant 0 : i32
    %dma_start3A_79 = tpu.memref_slice %arg7[%dma_start3A_77, %dma_start3A_78] : memref<10240x16xf32, #tpu.memory_space<vmem_shared>> -> memref<10240x16xf32, #tpu.memory_space<vmem_shared>>
    tpu.enqueue_indirect_dma source(%arg12 : memref<128x16xf32, #tpu.memory_space<vmem>>) target(%dma_start3A_79 : memref<10240x16xf32, #tpu.memory_space<vmem_shared>>) offsets(%dma_start3A_76 : memref<128xi32, #tpu.memory_space<vmem>>) semaphore(%arg18 : memref<!tpu.dma_semaphore, #tpu.memory_space<semaphore_mem>>) {add = true}
    %dma_wait3A_80 = arith.constant 0 : i32
    %dma_wait3A_81 = arith.constant 0 : i32
    %dma_wait3A_82 = tpu.memref_slice %arg2[%dma_wait3A_80, %dma_wait3A_81] : memref<10240x16xf32, #tpu.memory_space<hbm>> -> memref<128x16xf32, #tpu.memory_space<hbm>>
    %dma_wait3A_83 = arith.constant 0 : i32
    %dma_wait3A_84 = arith.constant 0 : i32
    %dma_wait3A_85 = tpu.memref_slice %arg2[%dma_wait3A_83, %dma_wait3A_84] : memref<10240x16xf32, #tpu.memory_space<hbm>> -> memref<128x16xf32, #tpu.memory_space<hbm>>
    tpu.wait_dma2 semaphore(%arg16 : memref<!tpu.dma_semaphore, #tpu.memory_space<semaphore_mem>>) src(%dma_wait3A_85 : memref<128x16xf32, #tpu.memory_space<hbm>>) dst(%arg10 : memref<128x16xf32, #tpu.memory_space<vmem>>)
    %dma_wait3A_86 = arith.constant 0 : i32
    %dma_wait3A_87 = arith.constant 0 : i32
    %dma_wait3A_88 = tpu.memref_slice %arg2[%dma_wait3A_86, %dma_wait3A_87] : memref<10240x16xf32, #tpu.memory_space<hbm>> -> memref<128x16xf32, #tpu.memory_space<hbm>>
    %dma_wait3A_89 = arith.constant 0 : i32
    %dma_wait3A_90 = arith.constant 0 : i32
    %dma_wait3A_91 = tpu.memref_slice %arg2[%dma_wait3A_89, %dma_wait3A_90] : memref<10240x16xf32, #tpu.memory_space<hbm>> -> memref<128x16xf32, #tpu.memory_space<hbm>>
    tpu.wait_dma2 semaphore(%arg17 : memref<!tpu.dma_semaphore, #tpu.memory_space<semaphore_mem>>) src(%dma_wait3A_91 : memref<128x16xf32, #tpu.memory_space<hbm>>) dst(%arg11 : memref<128x16xf32, #tpu.memory_space<vmem>>)
    %dma_wait3A_92 = arith.constant 0 : i32
    %dma_wait3A_93 = arith.constant 0 : i32
    %dma_wait3A_94 = tpu.memref_slice %arg2[%dma_wait3A_92, %dma_wait3A_93] : memref<10240x16xf32, #tpu.memory_space<hbm>> -> memref<128x16xf32, #tpu.memory_space<hbm>>
    %dma_wait3A_95 = arith.constant 0 : i32
    %dma_wait3A_96 = arith.constant 0 : i32
    %dma_wait3A_97 = tpu.memref_slice %arg2[%dma_wait3A_95, %dma_wait3A_96] : memref<10240x16xf32, #tpu.memory_space<hbm>> -> memref<128x16xf32, #tpu.memory_space<hbm>>
    tpu.wait_dma2 semaphore(%arg18 : memref<!tpu.dma_semaphore, #tpu.memory_space<semaphore_mem>>) src(%dma_wait3A_97 : memref<128x16xf32, #tpu.memory_space<hbm>>) dst(%arg12 : memref<128x16xf32, #tpu.memory_space<vmem>>)
    %barrier3A_98 = arith.constant 0 : index
    tpu.barrier barrier_id(%barrier3A_98)
    "tpu.region"() ({
      %run_scoped3A = tpu.sem_alloc : memref<!tpu.dma_semaphore, #tpu.memory_space<semaphore_mem>>
      %dma_start3A_99 = arith.constant 0 : i32
      %dma_start3A_100 = tpu.memref_slice %arg5[%arg0, %mul3A_6, %dma_start3A_99] : memref<2x10240x16xf32, #tpu.memory_space<hbm>> -> memref<1x640x16xf32, #tpu.memory_space<hbm>>
      %dma_start3A_101 = tpu.memref_squeeze %dma_start3A_100 : memref<1x640x16xf32, #tpu.memory_space<hbm>> -> memref<640x16xf32, #tpu.memory_space<hbm>>
      %dma_start3A_102 = arith.constant 0 : i32
      %dma_start3A_103 = tpu.memref_slice %arg7[%mul3A_6, %dma_start3A_102] : memref<10240x16xf32, #tpu.memory_space<vmem_shared>> -> memref<640x16xf32, #tpu.memory_space<vmem_shared>>
      tpu.enqueue_dma source(%dma_start3A_103 : memref<640x16xf32, #tpu.memory_space<vmem_shared>>) target(%dma_start3A_101 : memref<640x16xf32, #tpu.memory_space<hbm>>) target_semaphore(%run_scoped3A : memref<!tpu.dma_semaphore, #tpu.memory_space<semaphore_mem>>)
      %dma_wait3A_104 = arith.constant 0 : i32
      %dma_wait3A_105 = tpu.memref_slice %arg5[%arg0, %mul3A_6, %dma_wait3A_104] : memref<2x10240x16xf32, #tpu.memory_space<hbm>> -> memref<1x640x16xf32, #tpu.memory_space<hbm>>
      %dma_wait3A_106 = tpu.memref_squeeze %dma_wait3A_105 : memref<1x640x16xf32, #tpu.memory_space<hbm>> -> memref<640x16xf32, #tpu.memory_space<hbm>>
      %dma_wait3A_107 = arith.constant 0 : i32
      %dma_wait3A_108 = tpu.memref_slice %arg7[%mul3A_6, %dma_wait3A_107] : memref<10240x16xf32, #tpu.memory_space<vmem_shared>> -> memref<640x16xf32, #tpu.memory_space<vmem_shared>>
      tpu.wait_dma2 semaphore(%run_scoped3A : memref<!tpu.dma_semaphore, #tpu.memory_space<semaphore_mem>>) src(%dma_wait3A_108 : memref<640x16xf32, #tpu.memory_space<vmem_shared>>) dst(%dma_wait3A_106 : memref<640x16xf32, #tpu.memory_space<hbm>>)
      tpu.yield
    }) : () -> ()
    return
  }
}

</mosaic_0001>

<sc_bundles>
// kernel: _sc_agg.3.cloned.1.call-start
scs
__scs_entry_jumppad:
0x0: {  	(pc) =	sbr.rel $0x88, $3  }
0x1: {  	(tag) =	ssettag $0x0;
	lr =	simm.s32 $0x1  }
0x2: {  	[smem:$0x3F9E] =	sst lr;
	_ =	strace $0xD0000000  }
0x3: {  	_ = 	snop  }
0x4: {  	_ = 	snop  }
0x5: {  	_ = 	snop  }
0x6: {  	_ = 	snop  }
0x7: {  	_ = 	snop  }
__scs_overlays_trampoline_lowered:
0x8: {  	[smem:$0x3FAD] =	sst s0  }
0x9: {  	[smem:$0x3FAE] =	sst s1  }
0xa: {  	[smem:$0x3FAF] =	sst s2  }
0xb: {  	[smem:$0x3FB0] =	sst s3  }
0xc: {  	[smem:$0x3FB1] =	sst s4  }
0xd: {  	[smem:$0x3FB2] =	sst s5  }
0xe: {  	[smem:$0x3FB3] =	sst s6  }
0xf: {  	[smem:$0x3FB4] =	sst s7  }
0x10: {  	[smem:$0x3FB5] =	sst s8  }
0x11: {  	[smem:$0x3FB6] =	sst s9;
	s0 =	simm.s32 @!p0 $0x0  }
0x12: {  	s1 =	sld [smem:$0x3F9C];
	s0 =	simm.s32 @p0 $0x1  }
0x13: {  	[smem:$0x3FB7] =	sst s0;
	s0 =	simm.s32 @!p1 $0x0  }
0x14: {  	s2 =	sld [smem:$0x3F9B];
	s0 =	simm.s32 @p1 $0x1  }
0x15: {  	[smem:$0x3FB8] =	sst s0;
	s0 =	simm.s32 @!p2 $0x0  }
0x16: {  	s3 =	sld [smem:$0x3FDB];
	s0 =	simm.s32 @p2 $0x1  }
0x17: {  	s4 =	simm.s32 $0x1BF5;
	[smem:$0x3FBA] =	sst s0  }
0x18: {  	s0 =	sld [smem:$0x3F9D];
	_ =	swait.ge [sflag:s4], $0x0  }
0x19: {  	s7 =	sld [smem:$0x3F9E]  }
0x1a: {  	s8 =	sadd.s32 $0xFFFFE003, lr  }
0x1b: {  	s9 =	sadd.s32 $0xFFFFFEF7, lr;
	s5 =	simm.s32 $0xFFFFFFFF;
	p2 =	slt.u32 s8, $0xFFFFF086  }
0x1c: {  	p1 =	slt.u32 s9, $0xF7A;
	s5 =	simm.s32 @!p2 $0x0  }
0x1d: {  	s5 =	simm.s32 @p1 $0x1;
	p0 =	seq.s32 s7, s2  }
0x1e: {  	s7 =	smul.u32 @!p0 $0xF7A, s2;
	p2 =	seq.s32 @!p0 s5, $0x0  }
0x1f: {  	s9 =	smul.u32 $0xF7A, s1;
	s8 =	simm.s32 @!p0 $0x1BF5;
	p2 =	por !p2, p0  }
0x20: {  	[sflag:s8] =	ssyncset.s32 @!p0 $0xFFFFF086;
	s6 =	sadd.s32 @!p0 s3, s7;
	s7 =	simm.s32 @!p0 $0x108  }
0x21: {  	s3 =	sadd.s32 s3, s9;
	s6 =	sadd.s32 @!p0 $0x88, s6;
	s7 =	simm.s32 @p2 $0x1082  }
0x22: {  	[simem:s7], [sflag:s8] =	dma.local @!p0 [hbm:s6], $0xF7A  }
0x23: {  	s9 =	sor.u32 $0xD0000000, s2;
	s6 =	simm.s32 $0x108;
	_ =	swait.ge @!p0 [sflag:s8], $0x0  }
0x24: {  	s3 =	sadd.s32 $0x88, s3;
	s6 =	simm.s32 @!p1 $0x1082;
	[sflag:s4] =	ssyncset.s32 $0xFFFFF086  }
0x25: {  	[simem:s6], [sflag:s4] =	dma.local [hbm:s3], $0xF7A  }
0x26: {  	[smem:$0x3F9E] =	sst s1;
	(tag) =	ssettag s2;
	_ =	strace s9  }
0x27: {  	s1 =	sld [smem:$0x3FAE]  }
0x28: {  	s2 =	sld [smem:$0x3FAF]  }
0x29: {  	s4 =	sld [smem:$0x3FB1]  }
0x2a: {  	p0 =	seq.s32 s5, $0x0;
	s5 =	sld [smem:$0x3FB2]  }
0x2b: {  	s6 =	sld [smem:$0x3FB3]  }
0x2c: {  	s7 =	sld [smem:$0x3FB4]  }
0x2d: {  	s3 =	simm.s32 $0x108;
	s8 =	sld [smem:$0x3FB5]  }
0x2e: {  	s3 =	simm.s32 @!p0 $0x1082;
	s9 =	sld [smem:$0x3FB6]  }
0x2f: {  	lr =	sadd.s32 s0, s3;
	s0 =	sld [smem:$0x3FAD]  }
0x30: {  	s3 =	sld [smem:$0x3FB0]  }
0x31: {  	[smem:$0x3FB9] =	sst s10  }
0x32: {  	s10 =	sld [smem:$0x3FB7];
	_ =	sdelay $0x3  }
0x33: {  	p0 =	seq.s32 s10, $0x1;
	s10 =	sld [smem:$0x3FB9];
	_ =	sdelay $0x3  }
0x34: {  	[smem:$0x3FB9] =	sst s10  }
0x35: {  	s10 =	sld [smem:$0x3FB8];
	_ =	sdelay $0x3  }
0x36: {  	p1 =	seq.s32 s10, $0x1;
	s10 =	sld [smem:$0x3FB9];
	_ =	sdelay $0x3  }
0x37: {  	[smem:$0x3FB9] =	sst s10  }
0x38: {  	s10 =	sld [smem:$0x3FBA]  }
0x39: {  	_ = 	snop;
	(pc) =	sbr.ind lr, $3  }
0x3a: {  	_ = 	snop  }
0x3b: {  	_ = 	snop  }
0x3c: {  	p2 =	seq.s32 s10, $0x1;
	s10 =	sld [smem:$0x3FB9]  }
0x3d: {  	_ =	shalt  }
0x3e: {  	_ =	shalt  }
0x3f: {  	_ =	shalt  }
0x40: {  	_ =	shalt  }
0x41: {  	_ =	shalt  }
0x42: {  	_ =	shalt  }
0x43: {  	_ =	shalt  }
0x44: {  	_ =	shalt  }
0x45: {  	_ =	shalt  }
0x46: {  	_ =	shalt  }
0x47: {  	_ =	shalt  }
0x48: {  	_ =	shalt  }
0x49: {  	_ =	shalt  }
0x4a: {  	_ =	shalt  }
0x4b: {  	_ =	shalt  }
0x4c: {  	_ =	shalt  }
0x4d: {  	_ =	shalt  }
0x4e: {  	_ =	shalt  }
0x4f: {  	_ =	shalt  }
0x50: {  	_ =	shalt  }
0x51: {  	_ =	shalt  }
0x52: {  	_ =	shalt  }
0x53: {  	_ =	shalt  }
0x54: {  	_ =	shalt  }
0x55: {  	_ =	shalt  }
0x56: {  	_ =	shalt  }
0x57: {  	_ =	shalt  }
0x58: {  	_ =	shalt  }
0x59: {  	_ =	shalt  }
0x5a: {  	_ =	shalt  }
0x5b: {  	_ =	shalt  }
0x5c: {  	_ =	shalt  }
0x5d: {  	_ =	shalt  }
0x5e: {  	_ =	shalt  }
0x5f: {  	_ =	shalt  }
0x60: {  	_ =	shalt  }
0x61: {  	_ =	shalt  }
0x62: {  	_ =	shalt  }
0x63: {  	_ =	shalt  }
0x64: {  	_ =	shalt  }
0x65: {  	_ =	shalt  }
0x66: {  	_ =	shalt  }
0x67: {  	_ =	shalt  }
0x68: {  	_ =	shalt  }
0x69: {  	_ =	shalt  }
0x6a: {  	_ =	shalt  }
0x6b: {  	_ =	shalt  }
0x6c: {  	_ =	shalt  }
0x6d: {  	_ =	shalt  }
0x6e: {  	_ =	shalt  }
0x6f: {  	_ =	shalt  }
0x70: {  	_ =	shalt  }
0x71: {  	_ =	shalt  }
0x72: {  	_ =	shalt  }
0x73: {  	_ =	shalt  }
0x74: {  	_ =	shalt  }
0x75: {  	_ =	shalt  }
0x76: {  	_ =	shalt  }
0x77: {  	_ =	shalt  }
0x78: {  	_ =	shalt  }
0x79: {  	_ =	shalt  }
0x7a: {  	_ =	shalt  }
0x7b: {  	_ =	shalt  }
0x7c: {  	_ =	shalt  }
0x7d: {  	_ =	shalt  }
0x7e: {  	_ =	shalt  }
0x7f: {  	_ =	shalt  }
0x80: {  	_ =	shalt  }
0x81: {  	_ =	shalt  }
0x82: {  	_ =	shalt  }
0x83: {  	_ =	shalt  }
0x84: {  	_ =	shalt  }
0x85: {  	_ =	shalt  }
0x86: {  	_ =	shalt  }
0x87: {  	_ =	shalt  }
.Lfunc_end0:
.L_simem_size_0:
called_computation_lowered:
.L_overlay_start_0:
0x88: {  	s2 =	sld [smem:$0x3FD9]  }
0x89: {  	s3 =	sld [smem:$0x3FFE];
	_ =	sdelay $0x1  }
0x8a: {  	s1 =	srdreg.scid  }
0x8b: {  	s0 =	sand.u32 $0x1, s1  }
0x8c: {  	s17 =	sshll.u32 s0, $0xA;
	s2 =	sadd.s32 s3, s2  }
0x8d: {  	s2 =	sadd.s32 s2, s17  }
0x8e: {  	[smem:$0x3FC5] =	sst s2  }
0x8f: {  	_ = 	snop  }
0x90: {  	s2 =	sld [smem:$0x3FC8]  }
0x91: {  	s18 =	sld [smem:$0x3FC7]  }
0x92: {  	s4 =	sld [smem:$0x3FD0];
	(tm) =	ssettm $0x1  }
0x93: {  	s5 =	sld [smem:$0x3FFB];
	_ =	sdelay $0x3  }
0x94: {  	_ =	strace s5  }
0x95: {  	s5 =	sld [smem:$0x3FFC];
	_ =	sdelay $0x3  }
0x96: {  	_ =	strace s5  }
0x97: {  	s5 =	sld [smem:$0x3FFD];
	_ =	sdelay $0x3  }
0x98: {  	_ =	strace s5  }
0x99: {  	_ =	strace $0x8FFFFFFF  }
0x9a: {  	s19 =	sld [smem:$0x3FDB];
	_ =	sdelay $0x1  }
0x9b: {  	s6 =	simm.s32 $_scs_section_size  }
0x9c: {  	s7 =	simm.s32 $_size__tile_overlayer_lowered;
	s8 =	simm.s32 $_tile_overlayer_lowered  }
0x9d: {  	s22 =	simm.s32 $0x1BFF;
	s21 =	sshll.u32 s8, $0x1;
	s5 =	sadd.s32 s6, s19  }
0x9e: {  	s9 =	simm.s32 $0x0;
	s20 =	sshll.u32 s7, $0x1;
	s7 =	sadd.s32 s21, s5  }
0x9f: {  	[timem:s9], [sflag:s22] =	dma.local [hbm:s7], s20  }
0xa0: {  	_ =	swait.ge [sflag:s22], s20  }
0xa1: {  	s6 =	ssub.s32 $0x0, s20;
	[sflag:s22] =	ssyncset.done $0x0  }
0xa2: {  	[sflag:s22] =	ssyncadd.s32 s6;
	_ =	sdelay $0x1  }
0xa3: {  	s23 =	simm.s32 $0x1B8B  }
0xa4: {  	_ =	swait.ge [sflag:s23], $0x1  }
0xa5: {  	[sflag:s23] =	ssyncset.done $0x0  }
0xa6: {  	s25 =	simm.s32 $0x1B8E;
	s24 =	sld [smem:$0x3FFE];
	[sflag:s23] =	ssyncadd.s32 $0xFFFFFFFF  }
0xa7: {  	s26 =	simm.s32 $execute0_lowered;
	[smem:$0x3FD2] =	sst s25  }
0xa8: {  	s7 =	sshll.u32 s26, $0x1;
	_ =	strace $0x80000046;
	[dreg:$0x1] =	wrdreg $0xFFFFFFFF  }
0xa9: {  	s28 =	simm.s32 $_size_execute0_lowered;
	s5 =	sadd.s32 s5, s7;
	[dreg:$0x0] =	wrdreg $0x0  }
0xaa: {  	s7 =	sshll.u32 s28, $0x1;
	[dreg:$0x2] =	wrdreg s5  }
0xab: {  	[dreg:$0x3] =	wrdreg s7  }
0xac: {  	[dreg:$0x4] =	wrdreg $0xC0  }
0xad: {  	_ =	task [dreg:s9], $0x5FFFF  }
0xae: {  	[dreg:$0x1] =	wrdreg $0xFFFFFFFF  }
0xaf: {  	[dreg:$0x0] =	wrdreg $0x60  }
0xb0: {  	[dreg:$0x2] =	wrdreg s24  }
0xb1: {  	[dreg:$0x3] =	wrdreg s2  }
0xb2: {  	[dreg:$0x4] =	wrdreg s18  }
0xb3: {  	[dreg:$0x5] =	wrdreg s4  }
0xb4: {  	[dreg:$0x6] =	wrdreg $0x0  }
0xb5: {  	[dreg:$0x7] =	wrdreg $0x28000  }
0xb6: {  	[dreg:$0x8] =	wrdreg $0x9  }
0xb7: {  	_ =	task.clear_ibuf [dreg:s9], $0x9FFFF;
	_ =	strace $0x90000046  }
0xb8: {  	s29 =	simm.s32 $0x9;
	_ =	strace $0x80000048  }
0xb9: {  	_ =	swait.ge [sflag:s29], $0x1  }
0xba: {  	[sflag:s29] =	ssyncadd.s32 $0xFFFFFFFF  }
0xbb: {  	_ =	strace $0x90000048  }
0xbc: {  	_ =	sfence  }
0xbd: {  	s30 =	sld [smem:$0x0];
	_ =	sdelay $0x2  }
0xbe: {  	s31 =	sshll.u32 s1, $0xD;
	s1 =	sshrl.u32 s1, $0x2  }
0xbf: {  	s3 =	sand.u32 $0x4000, s31;
	s1 =	sadd.s32 s1, s30  }
0xc0: {  	s0 =	sor.u32 s3, s0;
	s1 =	sshll.u32 s1, $0x11  }
0xc1: {  	s0 =	sor.u32 s1, s0  }
0xc2: {  	s0 =	sadd.s32 $0x8F2B, s0  }
0xc3: {  	[sflag:s0] =	ssyncadd.remote.s32 $0x1  }
0xc4: {  	_ =	sfence.sel $0xFFFF  }
0xc5: {  	[dreg:$0x0] =	wrdreg $0xFFFFFFFF;
	(pc) =	sbr.abs _section_cstart, $3  }
0xc6: {  	[dreg:$0x1] =	wrdreg $0xFFFFFFFF  }
0xc7: {  	_ =	task.clear_ibuf [dreg:s9], $0x2FFFF;
	_ =	strace $0x9FFFFFFF  }
0xc8: {  	(tm) =	ssettm $0x7FFFFFFF  }
0xc9: {  	_ =	shalt  }
tec
execute0_lowered:
.L_overlay_start_1:
0x0: {  	(tag) =	ssettag $0x1  }
0x1: {  	s0 =	rddreg [dreg:$0x0]  }
0x2: {  	s2 =	rddreg [dreg:$0x1]  }
0x3: {  	s6 =	rddreg [dreg:$0x2]  }
0x4: {  	s9 =	rddreg [dreg:$0x3]  }
0x5: {  	s1 =	rddreg [dreg:$0x4]  }
0x6: {  	s3 =	rddreg [dreg:$0x5]  }
0x7: {  	s4 =	simm.s32 $0x0;
	s18 =	stileid.u32;
	s5 =	srdreg.scid  }
0x8: {  	s28 =	simm.s32 $0x1;
	s29 =	simm.s32 $0x2;
	s30 =	simm.s32 $0x3  }
0x9: {  	s31 =	simm.s32 $0x4;
	[smem:$0x7FF] =	sst s4;
	s10 =	smul.u32 $0x2800, s18  }
0xa: {  	s7 =	sand.u32 $0x1, s5;
	s20 =	sshll.u32 s18, $0x1;
	s13 =	smul.u32 $0xA000, s18  }
0xb: {  	s14 =	sshll.u32 s18, $0x6;
	_ =	strace $0x80000047;
	s5 =	sor.u32 s7, s20  }
0xc: {  	s11 =	ssub.s32 $0x2, s7;
	s24 =	smul.u32 $0x28000, s7;
	s14 =	sor.u32 $0x1C07, s14  }
0xd: {  	s8 =	sshrl.u32 s10, $0x3;
	s12 =	smul.u32 $0x510, s5;
	s21 =	sshrl.u32 s11, $0x1  }
0xe: {  	s22 =	sadd.s32 s10, s1;
	s23 =	sshrl.u32 s13, $0x2;
	s16 =	sadd.s32 s10, s3  }
0xf: {  	s13 =	simm.s32 $0x0;
	s8 =	sadd.s32 s8, s0;
	s11 =	ssub.s32 s11, s21  }
0x10: {  	s10 =	sadd.s32 s10, s24;
	s15 =	sshrl.u32 s22, $0x3;
	s16 =	sshrl.u32 s16, $0x3  }
0x11: {  	s21 =	simm.s32 $0x80;
	s22 =	simm.s32 $0xA100;
	s24 =	simm.s32 $0xA900  }
0x12: {  	s5 =	sadd.s32 s2, s12;
	s6 =	sadd.s32 s6, s12;
	s7 =	sadd.s32 $0x400, s8  }
0x13: {  	s12 =	sadd.s32 s23, s3;
	s8 =	sadd.s32 $0x5300, s0;
	s10 =	sshrl.u32 s10, $0x3  }
0x14: {  	s0 =	simm.s32 $0x5;
	s2 =	simm.s32 $0x6;
	s25 =	sadd.s32 $0x800, s12  }
0x15: {  	s26 =	sadd.s32 $0x1000, s12;
	s19 =	sadd.s32 $0x1800, s12;
	s20 =	sadd.s32 $0x2000, s12  }
0x16: {  	s9 =	sadd.s32 s9, s10;
	s10 =	smax.u32 s11, $0x1;
	s11 =	simm.s32 $0x5000  }
0x17: {  	s12 =	simm.s32 $0x7;
	s17 =	sshrl.u32 s25, $0x3;
	s18 =	sshrl.u32 s26, $0x3  }
0x18: {  	s19 =	sshrl.u32 s19, $0x3;
	s20 =	sshrl.u32 s20, $0x3;
	s26 =	simm.s32 $0xB100  }
.LBB2_1:
0x19: {  	s4 =	simm.s32 $0x0  }
0x1a: {  	[tilespmem:s11], [sflag:$0x7] =	stream.linear.gather [hbm4b:s5+s4], $0x2880, $0x38;
	[tilespmem:$0xB900] =	vst v63  }
0x1b: {  	_ =	swait.ge [sflag:s12], $0x2880  }
0x1c: {  	[sflag:s12] =	ssyncset.done $0x0  }
0x1d: {  	s23 =	simm.s32 $0x7880;
	[sflag:s12] =	ssyncadd.s32 $0xFFFFD780  }
0x1e: {  	[tilespmem:s23], [sflag:$0x7] =	stream.linear.gather [hbm4b:s6+s4], $0x2880, $0x38;
	[tilespmem:$0xB900] =	vst v63  }
0x1f: {  	_ =	swait.ge [sflag:s12], $0x2880  }
0x20: {  	[sflag:s12] =	ssyncset.done $0x0  }
0x21: {  	[sflag:s12] =	ssyncadd.s32 $0xFFFFD780  }
0x22: {  	[spmem:s15], [sflag:s14] =	dma.local [hbm:s7], $0x500  }
0x23: {  	_ =	swait.ge [sflag:s12], $0x500  }
0x24: {  	[sflag:s12] =	ssyncset.done $0x0  }
0x25: {  	[sflag:s12] =	ssyncadd.s32 $0xFFFFFB00  }
0x26: {  	[spmem:s16], [sflag:s14] =	dma.local [hbm:s8], $0x100  }
0x27: {  	_ =	swait.ge [sflag:s12], $0x100  }
0x28: {  	[sflag:s12] =	ssyncset.done $0x0  }
0x29: {  	[sflag:s12] =	ssyncadd.s32 $0xFFFFFF00  }
0x2a: {  	[spmem:s17], [sflag:s14] =	dma.local [hbm:s8], $0x100  }
0x2b: {  	_ =	swait.ge [sflag:s12], $0x100  }
0x2c: {  	[sflag:s12] =	ssyncset.done $0x0  }
0x2d: {  	[sflag:s12] =	ssyncadd.s32 $0xFFFFFF00  }
0x2e: {  	[spmem:s18], [sflag:s14] =	dma.local [hbm:s8], $0x100  }
0x2f: {  	_ =	swait.ge [sflag:s12], $0x100  }
0x30: {  	[sflag:s12] =	ssyncset.done $0x0  }
0x31: {  	[sflag:s12] =	ssyncadd.s32 $0xFFFFFF00  }
0x32: {  	[spmem:s19], [sflag:s14] =	dma.local [hbm:s8], $0x100  }
0x33: {  	_ =	swait.ge [sflag:s12], $0x100  }
0x34: {  	[sflag:s12] =	ssyncset.done $0x0  }
0x35: {  	[sflag:s12] =	ssyncadd.s32 $0xFFFFFF00  }
0x36: {  	[spmem:s20], [sflag:s14] =	dma.local [hbm:s8], $0x100  }
0x37: {  	_ =	swait.ge [sflag:s12], $0x100  }
0x38: {  	[sflag:s12] =	ssyncset.done $0x0  }
0x39: {  	[sflag:s12] =	ssyncadd.s32 $0xFFFFFF00  }
0x3a: {  	[bflag:$0x0] =	sbarrier.arrive $0xFFFF  }
0x3b: {  	[tilespmem:s22], [sflag:$0x1] =	stream.indirect.gather [spmem:s1], $0x10, s11, s21, $0xb8;
	[tilespmem:$0xB900] =	vst v63  }
0x3c: {  	s25 =	simm.s32 $0x5080  }
0x3d: {  	[tilespmem:s24], [sflag:$0x2] =	stream.indirect.gather [spmem:s1], $0x10, s25, s21, $0xb8;
	[tilespmem:$0xB900] =	vst v63  }
0x3e: {  	s23 =	simm.s32 $0x5100  }
0x3f: {  	[tilespmem:s26], [sflag:$0x3] =	stream.indirect.gather [spmem:s1], $0x10, s23, s21, $0xb8;
	[tilespmem:$0xB900] =	vst v63  }
0x40: {  	_ =	swait.ge [sflag:s28], $0x800  }
0x41: {  	[sflag:s28] =	ssyncset.done $0x0  }
0x42: {  	s25 =	simm.s32 $0x7880;
	[sflag:s28] =	ssyncadd.s32 $0xFFFFF800  }
0x43: {  	[spmem:s3] =	stream.indirect.scatter.add.f32 [tilespmem:s22], [sflag:$0x4], $0x10, s25, s21, $0xb8;
	[tilespmem:$0xB900] =	vst v63  }
0x44: {  	_ =	swait.ge [sflag:s29], $0x800  }
0x45: {  	[sflag:s29] =	ssyncset.done $0x0  }
0x46: {  	s4 =	simm.s32 $0x7900;
	[sflag:s29] =	ssyncadd.s32 $0xFFFFF800  }
0x47: {  	[spmem:s3] =	stream.indirect.scatter.add.f32 [tilespmem:s24], [sflag:$0x5], $0x10, s4, s21, $0xb8;
	[tilespmem:$0xB900] =	vst v63  }
0x48: {  	_ =	swait.ge [sflag:s30], $0x800  }
0x49: {  	[sflag:s30] =	ssyncset.done $0x0  }
0x4a: {  	s25 =	simm.s32 $0x7980;
	[sflag:s30] =	ssyncadd.s32 $0xFFFFF800  }
0x4b: {  	[spmem:s3] =	stream.indirect.scatter.add.f32 [tilespmem:s26], [sflag:$0x6], $0x10, s25, s21, $0xb8;
	[tilespmem:$0xB900] =	vst v63  }
0x4c: {  	_ =	swait.ge [sflag:s31], $0x800  }
0x4d: {  	[sflag:s31] =	ssyncset.done $0x0  }
0x4e: {  	s4 =	simm.s32 $0x5180;
	[sflag:s31] =	ssyncadd.s32 $0xFFFFF800  }
0x4f: {  	[tilespmem:s22], [sflag:$0x1] =	stream.indirect.gather [spmem:s1], $0x10, s4, s21, $0xb8;
	[tilespmem:$0xB900] =	vst v63  }
0x50: {  	_ =	swait.ge [sflag:s0], $0x800  }
0x51: {  	[sflag:s0] =	ssyncset.done $0x0  }
0x52: {  	s25 =	simm.s32 $0x5200;
	[sflag:s0] =	ssyncadd.s32 $0xFFFFF800  }
0x53: {  	[tilespmem:s24], [sflag:$0x2] =	stream.indirect.gather [spmem:s1], $0x10, s25, s21, $0xb8;
	[tilespmem:$0xB900] =	vst v63  }
0x54: {  	_ =	swait.ge [sflag:s2], $0x800  }
0x55: {  	[sflag:s2] =	ssyncset.done $0x0  }
0x56: {  	s23 =	simm.s32 $0x600;
	s25 =	simm.s32 $0x5280;
	[sflag:s2] =	ssyncadd.s32 $0xFFFFF800  }
.LBB2_2:
0x57: {  	[tilespmem:s26], [sflag:$0x3] =	stream.indirect.gather [spmem:s1], $0x10, s25, s21, $0xb8;
	[tilespmem:$0xB900] =	vst v63  }
0x58: {  	s25 =	smov.u32 s23  }
0x59: {  	p0 =	sne.s32 s23, $0x9600;
	s23 =	sadd.s32 $0x600, s23;
	_ =	swait.ge [sflag:s28], $0x800  }
0x5a: {  	s25 =	sshra.s32 s25, $0x2;
	[sflag:s28] =	ssyncset.done $0x0  }
0x5b: {  	s4 =	sadd.s32 $0x7880, s25;
	[sflag:s28] =	ssyncadd.s32 $0xFFFFF800  }
0x5c: {  	[spmem:s3] =	stream.indirect.scatter.add.f32 [tilespmem:s22], [sflag:$0x4], $0x10, s4, s21, $0xb8;
	[tilespmem:$0xB900] =	vst v63  }
0x5d: {  	_ =	swait.ge [sflag:s29], $0x800  }
0x5e: {  	[sflag:s29] =	ssyncset.done $0x0  }
0x5f: {  	s4 =	sadd.s32 $0x7900, s25;
	[sflag:s29] =	ssyncadd.s32 $0xFFFFF800  }
0x60: {  	[spmem:s3] =	stream.indirect.scatter.add.f32 [tilespmem:s24], [sflag:$0x5], $0x10, s4, s21, $0xb8;
	[tilespmem:$0xB900] =	vst v63  }
0x61: {  	_ =	swait.ge [sflag:s30], $0x800  }
0x62: {  	[sflag:s30] =	ssyncset.done $0x0  }
0x63: {  	s4 =	sadd.s32 $0x7980, s25;
	[sflag:s30] =	ssyncadd.s32 $0xFFFFF800  }
0x64: {  	[spmem:s3] =	stream.indirect.scatter.add.f32 [tilespmem:s26], [sflag:$0x6], $0x10, s4, s21, $0xb8;
	[tilespmem:$0xB900] =	vst v63  }
0x65: {  	_ =	swait.ge [sflag:s31], $0x800  }
0x66: {  	[sflag:s31] =	ssyncset.done $0x0  }
0x67: {  	s4 =	sadd.s32 $0x5180, s25;
	[sflag:s31] =	ssyncadd.s32 $0xFFFFF800  }
0x68: {  	[tilespmem:s22], [sflag:$0x1] =	stream.indirect.gather [spmem:s1], $0x10, s4, s21, $0xb8;
	[tilespmem:$0xB900] =	vst v63  }
0x69: {  	_ =	swait.ge [sflag:s0], $0x800  }
0x6a: {  	[sflag:s0] =	ssyncset.done $0x0  }
.Ltmp0:
0x6b: {  	s4 =	sadd.s32 $0x5200, s25;
	[sflag:s0] =	ssyncadd.s32 $0xFFFFF800;
	(pc) =	sbr.rel @p0 .LBB2_2-.Ltmp0, $4  }
0x6c: {  	[tilespmem:s24], [sflag:$0x2] =	stream.indirect.gather [spmem:s1], $0x10, s4, s21, $0xb8;
	[tilespmem:$0xB900] =	vst v63  }
0x6d: {  	_ =	swait.ge [sflag:s2], $0x800  }
0x6e: {  	[sflag:s2] =	ssyncset.done $0x0  }
0x6f: {  	s25 =	sadd.s32 $0x5280, s25;
	[sflag:s2] =	ssyncadd.s32 $0xFFFFF800  }
0x70: {  	[tilespmem:s26], [sflag:$0x3] =	stream.indirect.gather [spmem:s1], $0x10, s25, s21, $0xb8;
	[tilespmem:$0xB900] =	vst v63  }
0x71: {  	_ =	swait.ge [sflag:s28], $0x800  }
0x72: {  	[sflag:s28] =	ssyncset.done $0x0  }
0x73: {  	s4 =	simm.s32 $0x9F80;
	[sflag:s28] =	ssyncadd.s32 $0xFFFFF800  }
0x74: {  	[spmem:s3] =	stream.indirect.scatter.add.f32 [tilespmem:s22], [sflag:$0x4], $0x10, s4, s21, $0xb8;
	[tilespmem:$0xB900] =	vst v63  }
0x75: {  	_ =	swait.ge [sflag:s29], $0x800  }
0x76: {  	[sflag:s29] =	ssyncset.done $0x0  }
0x77: {  	s23 =	simm.s32 $0xA000;
	[sflag:s29] =	ssyncadd.s32 $0xFFFFF800  }
0x78: {  	[spmem:s3] =	stream.indirect.scatter.add.f32 [tilespmem:s24], [sflag:$0x5], $0x10, s23, s21, $0xb8;
	[tilespmem:$0xB900] =	vst v63  }
0x79: {  	_ =	swait.ge [sflag:s30], $0x800  }
0x7a: {  	[sflag:s30] =	ssyncset.done $0x0  }
0x7b: {  	s25 =	simm.s32 $0xA080;
	[sflag:s30] =	ssyncadd.s32 $0xFFFFF800  }
0x7c: {  	[spmem:s3] =	stream.indirect.scatter.add.f32 [tilespmem:s26], [sflag:$0x6], $0x10, s25, s21, $0xb8;
	[tilespmem:$0xB900] =	vst v63  }
0x7d: {  	_ =	swait.ge [sflag:s31], $0x800  }
0x7e: {  	[sflag:s31] =	ssyncset.done $0x0  }
0x7f: {  	[sflag:s31] =	ssyncadd.s32 $0xFFFFF800  }
0x80: {  	_ =	swait.ge [sflag:s0], $0x800  }
0x81: {  	[sflag:s0] =	ssyncset.done $0x0  }
0x82: {  	[sflag:s0] =	ssyncadd.s32 $0xFFFFF800  }
0x83: {  	_ =	swait.ge [sflag:s2], $0x800  }
0x84: {  	s13 =	sadd.s32 $0x1, s13;
	[sflag:s2] =	ssyncset.done $0x0  }
0x85: {  	p0 =	sne.s32 s13, s10;
	[sflag:s2] =	ssyncadd.s32 $0xFFFFF800  }
.Ltmp1:
0x86: {  	[bflag:$0x0] =	sbarrier.arrive $0xFFFF;
	(pc) =	sbr.rel @p0 .LBB2_1-.Ltmp1, $4  }
0x87: {  	[hbm:s9], [sflag:s14] =	dma.local [spmem:s16], $0x500  }
0x88: {  	_ =	swait.ge [sflag:s12], $0x500  }
0x89: {  	[sflag:s12] =	ssyncset.done $0x0  }
0x8a: {  	[sflag:s12] =	ssyncadd.s32 $0xFFFFFB00  }
0x8b: {  	_ =	sfence.sel $0x180000  }
0x8c: {  	[bflag:$0x0] =	sbarrier.arrive $0xFFFF  }
0x8d: {  	_ =	strace $0x90000047  }
0x8e: {  	s0 =	stileid.u32;
	[bflag:$0x2] =	sbarrier.arrive $0xFFFF  }
0x8f: {  	p0 =	sne.s32 s0, $0x0;
	s0 =	rddreg [dreg:$0x6]  }
0x90: {  	s0 =	sadd.s32 @!p0 $0x100000, s0  }
0x91: {  	[sflag:s0] =	ssyncadd.tile.s32 @!p0 $0x1;
	_ =	shalt  }
.Lfunc_end2:
_tile_overlayer_lowered:
.L_overlay_start_2:
0x92: {  	(tag) =	ssettag $0x2  }
0x93: {  	s0 =	rddreg [dreg:$0x0];
	s2 =	stileid.u32  }
0x94: {  	s1 =	rddreg [dreg:$0x1];
	p0 =	sne.s32 s2, $0x0  }
0x95: {  	s3 =	rddreg [dreg:$0x2];
	[bflag:$0x3] =	sbarrier.arrive $0xFFFF;
	s2 =	simm.s32 @!p0 $0x1C07  }
0x96: {  	[timem:s3], [sflag:s2] =	dma.local @!p0 [hbm:s0], s1  }
0x97: {  	s0 =	simm.s32 @!p0 $0x7  }
0x98: {  	_ =	swait.ge @!p0 [sflag:s0], s1  }
0x99: {  	s1 =	ssub.s32 @!p0 $0x0, s1;
	[sflag:s0] =	ssyncset.done @!p0 $0x0  }
0x9a: {  	[sflag:s0] =	ssyncadd.s32 @!p0 s1  }
0x9b: {  	[bflag:$0x3] =	sbarrier.arrive $0xFFFF  }
0x9c: {  	_ =	shalt  }

</sc_bundles>
